<compile_context>
chip_gen: v7x
topology: tpu7x:2x2x1
jax: 0.10.2.dev20260603
libtpu: 0.0.44.dev20260713+nightly
codegen_flags: <defaults>
</compile_context>

<pallas_src>
import functools

import jax
import jax.numpy as jnp
from jax import lax
from jax.experimental import pallas as pl
from jax.experimental.pallas import tpu as pltpu
from jax.experimental.pallas import tpu_sc as plsc

EPS = 1e-15

NC = 2
NS = 16
NW = NC * NS

WALK = 10
HID = 128
CHUNK = 128


def _make_gather(n_rows, chunks_per_worker):
    rows_per_worker = chunks_per_worker * CHUNK
    mesh = plsc.VectorSubcoreMesh(
        core_axis_name="c", subcore_axis_name="s",
        num_cores=NC, num_subcores=NS)

    nbuf = min(7, chunks_per_worker)
    glead = 5

    @functools.partial(
        pl.kernel,
        mesh=mesh,
        out_type=jax.ShapeDtypeStruct((n_rows, HID), jnp.float32),
        scratch_types=[
            pltpu.VMEM((chunks_per_worker, CHUNK), jnp.int32),
            [pltpu.VMEM((CHUNK, HID), jnp.float32) for _ in range(nbuf)],
            [pltpu.SemaphoreType.DMA for _ in range(nbuf)],
            [pltpu.SemaphoreType.DMA for _ in range(nbuf)],
        ],
    )
    def gather_k(table_hbm, idx_hbm, out_hbm, idx_v, bufs, gsems, wsems):
        wid = lax.axis_index("s") * NC + lax.axis_index("c")
        base = wid * rows_per_worker
        pltpu.sync_copy(idx_hbm.at[wid], idx_v)
        gath = [None] * chunks_per_worker
        wb = [None] * chunks_per_worker

        def writeback(j):
            gath[j].wait()
            wb[j] = pltpu.async_copy(
                bufs[j % nbuf], out_hbm.at[pl.ds(base + j * CHUNK, CHUNK)],
                wsems[j % nbuf])

        for j in range(chunks_per_worker):
            if j >= nbuf:
                wb[j - nbuf].wait()
            gath[j] = pltpu.async_copy(
                table_hbm.at[idx_v.at[j]], bufs[j % nbuf], gsems[j % nbuf])
            if j >= glead:
                writeback(j - glead)
        for j in range(max(0, chunks_per_worker - glead), chunks_per_worker):
            writeback(j)
        for j in range(max(0, chunks_per_worker - nbuf), chunks_per_worker):
            wb[j].wait()

    return gather_k


def _loss_body(nblk, sign, g_ref, wt_ref, b_ref, out_ref, acc_ref):
    i = pl.program_id(0)
    wt = wt_ref[...]
    bias = b_ref[...]
    t0 = jnp.tanh(g_ref[0].T)
    h0 = jnp.dot(wt, t0, preferred_element_type=jnp.float32) + bias
    rows = []
    for p in range(1, WALK):
        tp = jnp.tanh(g_ref[p].T)
        hp = jnp.dot(wt, tp, preferred_element_type=jnp.float32) + bias
        rows.append(jnp.sum(h0 * hp, axis=0, keepdims=True))
    s = jnp.concatenate(rows, axis=0)
    sig = 1.0 / (1.0 + jnp.exp(-sign * s))
    total = jnp.sum(-jnp.log(sig + EPS))

    @pl.when(i == 0)
    def _():
        acc_ref[0, 0] = 0.0

    acc_ref[0, 0] += total

    @pl.when(i == nblk - 1)
    def _():
        out_ref[0, 0] = acc_ref[0, 0]


def _loss_call(g3, Wt, bcol, nblk, sign, wb):
    return pl.pallas_call(
        functools.partial(_loss_body, nblk, sign),
        grid=(nblk,),
        in_specs=[
            pl.BlockSpec((WALK, wb, HID), lambda i: (0, i, 0)),
            pl.BlockSpec((HID, HID), lambda i: (0, 0)),
            pl.BlockSpec((HID, 1), lambda i: (0, 0)),
        ],
        out_specs=pl.BlockSpec(memory_space=pltpu.SMEM),
        out_shape=jax.ShapeDtypeStruct((1, 1), jnp.float32),
        scratch_shapes=[pltpu.SMEM((1, 1), jnp.float32)],
    )(g3, Wt, bcol)


def kernel(pos_rw, neg_rw, features, W, b):
    batch = pos_rw.shape[0]
    w_t = W.T
    bcol = b.reshape(HID, 1)
    wb = 2048

    slices = (
        (pos_rw, 1.0),
        (neg_rw, -1.0),
    )
    partials = []
    for rw, sign in slices:
        n = rw.shape[0]
        n_rows = n * WALK
        chunks_per_worker = n_rows // (NW * CHUNK)
        idx_flat = rw.T.reshape(-1).astype(jnp.int32)
        idx3 = idx_flat.reshape(NW, chunks_per_worker, CHUNK)
        gathered = _make_gather(n_rows, chunks_per_worker)(features, idx3)
        g3 = gathered.reshape(WALK, n, HID)
        partials.append(_loss_call(g3, w_t, bcol, n // wb, sign, wb))

    n_pairs = batch * (WALK - 1)
    total = partials[0][0, 0] + partials[1][0, 0]
    return total / jnp.float32(n_pairs)

# --- scband reference (transcript-rebuilt; emitter-appended) ---
"""Pipeline reference for scband-my-gcn-5549097747074 (READ-ONLY COPY).

The authoritative reference and input builder live on the scoring server;
editing this copy changes nothing except your own understanding.
"""

import jax, jax.numpy as jnp
import numpy as np

EPS = 1e-15
NUM_NODES = 100000
NFEATS = 128
HIDDEN = 128
BATCH = 4096
WALK = 10


def setup_inputs(seed: int = 0) -> dict:
    key = jax.random.key(seed)
    k1, k2, k3, k4 = jax.random.split(key, 4)
    pos_rw = jax.random.randint(k1, (BATCH, WALK), 0, NUM_NODES)
    neg_rw = jax.random.randint(k2, (BATCH, WALK), 0, NUM_NODES)
    # frozen-then-reassigned embedding table (features passed to __init__)
    features = jax.random.normal(k3, (NUM_NODES, NFEATS), dtype=jnp.float32) * 0.1
    # nn.Linear(nfeats, hidden_size)
    W = jax.random.normal(k4, (NFEATS, HIDDEN), dtype=jnp.float32) * (1.0 / np.sqrt(NFEATS))
    b = jnp.zeros((HIDDEN,), dtype=jnp.float32)
    return {"pos_rw": pos_rw, "neg_rw": neg_rw, "features": features, "W": W, "b": b}


def reference(pos_rw, neg_rw, features, W, b):
    def embed(idx):
        # self.linear(tanh(self.embeddings(idx)))
        return jnp.tanh(jnp.take(features, idx, axis=0)) @ W + b

    # positive loss
    start, rest = pos_rw[:, 0], pos_rw[:, 1:]
    h_start = embed(start).reshape(pos_rw.shape[0], 1, HIDDEN)
    h_rest = embed(rest.reshape(-1)).reshape(pos_rw.shape[0], -1, HIDDEN)
    out = (h_start * h_rest).sum(axis=-1).reshape(-1)
    pos_loss = -jnp.log(jax.nn.sigmoid(out) + EPS).mean()

    # negative loss
    start, rest = neg_rw[:, 0], neg_rw[:, 1:]
    h_start = embed(start).reshape(neg_rw.shape[0], 1, HIDDEN)
    h_rest = embed(rest.reshape(-1)).reshape(neg_rw.shape[0], -1, HIDDEN)
    out = (h_start * h_rest).sum(axis=-1).reshape(-1)
    neg_loss = -jnp.log(1.0 - jax.nn.sigmoid(out) + EPS).mean()

    return pos_loss + neg_loss

if __name__ == "__main__":
    import jax
    _d = setup_inputs()
    print(jax.jit(kernel)(*tuple(_d.values())))

</pallas_src>

<mosaic_0001>
#map = affine_map<(d0, d1) -> (0, 0)>
#map1 = affine_map<(d0, d1) -> (0, 0, 0)>
module attributes {stable_mosaic.version = 14 : i64} {
  func.func @gather_k(%arg0: i32, %arg1: i32, %arg2: memref<100000x128xf32, #tpu.memory_space<hbm>>, %arg3: memref<32x10x128xi32, #tpu.memory_space<hbm>>, %arg4: memref<40960x128xf32, #tpu.memory_space<hbm>>, %arg5: memref<10x128xi32, #tpu.memory_space<vmem>>, %arg6: memref<128x128xf32, #tpu.memory_space<vmem>>, %arg7: memref<128x128xf32, #tpu.memory_space<vmem>>, %arg8: memref<128x128xf32, #tpu.memory_space<vmem>>, %arg9: memref<128x128xf32, #tpu.memory_space<vmem>>, %arg10: memref<128x128xf32, #tpu.memory_space<vmem>>, %arg11: memref<128x128xf32, #tpu.memory_space<vmem>>, %arg12: memref<128x128xf32, #tpu.memory_space<vmem>>, %arg13: memref<!tpu.dma_semaphore, #tpu.memory_space<semaphore_mem>>, %arg14: memref<!tpu.dma_semaphore, #tpu.memory_space<semaphore_mem>>, %arg15: memref<!tpu.dma_semaphore, #tpu.memory_space<semaphore_mem>>, %arg16: memref<!tpu.dma_semaphore, #tpu.memory_space<semaphore_mem>>, %arg17: memref<!tpu.dma_semaphore, #tpu.memory_space<semaphore_mem>>, %arg18: memref<!tpu.dma_semaphore, #tpu.memory_space<semaphore_mem>>, %arg19: memref<!tpu.dma_semaphore, #tpu.memory_space<semaphore_mem>>, %arg20: memref<!tpu.dma_semaphore, #tpu.memory_space<semaphore_mem>>, %arg21: memref<!tpu.dma_semaphore, #tpu.memory_space<semaphore_mem>>, %arg22: memref<!tpu.dma_semaphore, #tpu.memory_space<semaphore_mem>>, %arg23: memref<!tpu.dma_semaphore, #tpu.memory_space<semaphore_mem>>, %arg24: memref<!tpu.dma_semaphore, #tpu.memory_space<semaphore_mem>>, %arg25: memref<!tpu.dma_semaphore, #tpu.memory_space<semaphore_mem>>, %arg26: memref<!tpu.dma_semaphore, #tpu.memory_space<semaphore_mem>>) attributes {dimension_semantics = [#tpu.dimension_semantics<core_parallel>, #tpu.dimension_semantics<subcore_parallel>], iteration_bounds = array<i64: 2, 16>, scalar_prefetch = 0 : i64, scratch_operands = 22 : i64, tpu.core_type = #tpu.core_type<sc_vector_subcore>, window_params = [{transform_indices = #map}, {transform_indices = #map1}, {transform_indices = #map}]} {
    %mul3A = arith.constant 2 : i32
    %mul3A_0 = arith.muli %arg1, %mul3A : i32
    %add3A = arith.addi %mul3A_0, %arg0 : i32
    %mul3A_1 = arith.constant 1280 : i32
    %mul3A_2 = arith.muli %add3A, %mul3A_1 : i32
    "tpu.region"() ({
      %run_scoped3A = tpu.sem_alloc : memref<!tpu.dma_semaphore, #tpu.memory_space<semaphore_mem>>
      %dma_start3A_241 = arith.constant 0 : i32
      %dma_start3A_242 = arith.constant 0 : i32
      %dma_start3A_243 = tpu.memref_slice %arg3[%add3A, %dma_start3A_241, %dma_start3A_242] : memref<32x10x128xi32, #tpu.memory_space<hbm>> -> memref<1x10x128xi32, #tpu.memory_space<hbm>>
      %dma_start3A_244 = tpu.memref_squeeze %dma_start3A_243 : memref<1x10x128xi32, #tpu.memory_space<hbm>> -> memref<10x128xi32, #tpu.memory_space<hbm>>
      %dma_start3A_245 = arith.constant 0 : i32
      %dma_start3A_246 = arith.constant 0 : i32
      %dma_start3A_247 = tpu.memref_slice %arg3[%add3A, %dma_start3A_245, %dma_start3A_246] : memref<32x10x128xi32, #tpu.memory_space<hbm>> -> memref<1x10x128xi32, #tpu.memory_space<hbm>>
      %dma_start3A_248 = tpu.memref_squeeze %dma_start3A_247 : memref<1x10x128xi32, #tpu.memory_space<hbm>> -> memref<10x128xi32, #tpu.memory_space<hbm>>
      tpu.enqueue_dma source(%dma_start3A_248 : memref<10x128xi32, #tpu.memory_space<hbm>>) target(%arg5 : memref<10x128xi32, #tpu.memory_space<vmem>>) target_semaphore(%run_scoped3A : memref<!tpu.dma_semaphore, #tpu.memory_space<semaphore_mem>>)
      %dma_wait3A_249 = arith.constant 0 : i32
      %dma_wait3A_250 = arith.constant 0 : i32
      %dma_wait3A_251 = tpu.memref_slice %arg3[%add3A, %dma_wait3A_249, %dma_wait3A_250] : memref<32x10x128xi32, #tpu.memory_space<hbm>> -> memref<1x10x128xi32, #tpu.memory_space<hbm>>
      %dma_wait3A_252 = tpu.memref_squeeze %dma_wait3A_251 : memref<1x10x128xi32, #tpu.memory_space<hbm>> -> memref<10x128xi32, #tpu.memory_space<hbm>>
      %dma_wait3A_253 = arith.constant 0 : i32
      %dma_wait3A_254 = arith.constant 0 : i32
      %dma_wait3A_255 = tpu.memref_slice %arg3[%add3A, %dma_wait3A_253, %dma_wait3A_254] : memref<32x10x128xi32, #tpu.memory_space<hbm>> -> memref<1x10x128xi32, #tpu.memory_space<hbm>>
      %dma_wait3A_256 = tpu.memref_squeeze %dma_wait3A_255 : memref<1x10x128xi32, #tpu.memory_space<hbm>> -> memref<10x128xi32, #tpu.memory_space<hbm>>
      tpu.wait_dma2 semaphore(%run_scoped3A : memref<!tpu.dma_semaphore, #tpu.memory_space<semaphore_mem>>) src(%dma_wait3A_256 : memref<10x128xi32, #tpu.memory_space<hbm>>) dst(%arg5 : memref<10x128xi32, #tpu.memory_space<vmem>>)
      tpu.yield
    }) : () -> ()
    %dma_start3A = arith.constant 0 : i32
    %dma_start3A_3 = arith.constant 0 : i32
    %dma_start3A_4 = tpu.memref_slice %arg5[%dma_start3A, %dma_start3A_3] : memref<10x128xi32, #tpu.memory_space<vmem>> -> memref<1x128xi32, #tpu.memory_space<vmem>>
    %dma_start3A_5 = tpu.memref_squeeze %dma_start3A_4 : memref<1x128xi32, #tpu.memory_space<vmem>> -> memref<128xi32, #tpu.memory_space<vmem>>
    %dma_start3A_6 = arith.constant 0 : i32
    %dma_start3A_7 = arith.constant 0 : i32
    %dma_start3A_8 = tpu.memref_slice %arg2[%dma_start3A_6, %dma_start3A_7] : memref<100000x128xf32, #tpu.memory_space<hbm>> -> memref<100000x128xf32, #tpu.memory_space<hbm>>
    tpu.enqueue_indirect_dma source(%dma_start3A_8 : memref<100000x128xf32, #tpu.memory_space<hbm>>) target(%arg6 : memref<128x128xf32, #tpu.memory_space<vmem>>) offsets(%dma_start3A_5 : memref<128xi32, #tpu.memory_space<vmem>>) semaphore(%arg13 : memref<!tpu.dma_semaphore, #tpu.memory_space<semaphore_mem>>)
    %dma_start3A_9 = arith.constant 1 : i32
    %dma_start3A_10 = arith.constant 0 : i32
    %dma_start3A_11 = tpu.memref_slice %arg5[%dma_start3A_9, %dma_start3A_10] : memref<10x128xi32, #tpu.memory_space<vmem>> -> memref<1x128xi32, #tpu.memory_space<vmem>>
    %dma_start3A_12 = tpu.memref_squeeze %dma_start3A_11 : memref<1x128xi32, #tpu.memory_space<vmem>> -> memref<128xi32, #tpu.memory_space<vmem>>
    %dma_start3A_13 = arith.constant 0 : i32
    %dma_start3A_14 = arith.constant 0 : i32
    %dma_start3A_15 = tpu.memref_slice %arg2[%dma_start3A_13, %dma_start3A_14] : memref<100000x128xf32, #tpu.memory_space<hbm>> -> memref<100000x128xf32, #tpu.memory_space<hbm>>
    tpu.enqueue_indirect_dma source(%dma_start3A_15 : memref<100000x128xf32, #tpu.memory_space<hbm>>) target(%arg7 : memref<128x128xf32, #tpu.memory_space<vmem>>) offsets(%dma_start3A_12 : memref<128xi32, #tpu.memory_space<vmem>>) semaphore(%arg14 : memref<!tpu.dma_semaphore, #tpu.memory_space<semaphore_mem>>)
    %dma_start3A_16 = arith.constant 2 : i32
    %dma_start3A_17 = arith.constant 0 : i32
    %dma_start3A_18 = tpu.memref_slice %arg5[%dma_start3A_16, %dma_start3A_17] : memref<10x128xi32, #tpu.memory_space<vmem>> -> memref<1x128xi32, #tpu.memory_space<vmem>>
    %dma_start3A_19 = tpu.memref_squeeze %dma_start3A_18 : memref<1x128xi32, #tpu.memory_space<vmem>> -> memref<128xi32, #tpu.memory_space<vmem>>
    %dma_start3A_20 = arith.constant 0 : i32
    %dma_start3A_21 = arith.constant 0 : i32
    %dma_start3A_22 = tpu.memref_slice %arg2[%dma_start3A_20, %dma_start3A_21] : memref<100000x128xf32, #tpu.memory_space<hbm>> -> memref<100000x128xf32, #tpu.memory_space<hbm>>
    tpu.enqueue_indirect_dma source(%dma_start3A_22 : memref<100000x128xf32, #tpu.memory_space<hbm>>) target(%arg8 : memref<128x128xf32, #tpu.memory_space<vmem>>) offsets(%dma_start3A_19 : memref<128xi32, #tpu.memory_space<vmem>>) semaphore(%arg15 : memref<!tpu.dma_semaphore, #tpu.memory_space<semaphore_mem>>)
    %dma_start3A_23 = arith.constant 3 : i32
    %dma_start3A_24 = arith.constant 0 : i32
    %dma_start3A_25 = tpu.memref_slice %arg5[%dma_start3A_23, %dma_start3A_24] : memref<10x128xi32, #tpu.memory_space<vmem>> -> memref<1x128xi32, #tpu.memory_space<vmem>>
    %dma_start3A_26 = tpu.memref_squeeze %dma_start3A_25 : memref<1x128xi32, #tpu.memory_space<vmem>> -> memref<128xi32, #tpu.memory_space<vmem>>
    %dma_start3A_27 = arith.constant 0 : i32
    %dma_start3A_28 = arith.constant 0 : i32
    %dma_start3A_29 = tpu.memref_slice %arg2[%dma_start3A_27, %dma_start3A_28] : memref<100000x128xf32, #tpu.memory_space<hbm>> -> memref<100000x128xf32, #tpu.memory_space<hbm>>
    tpu.enqueue_indirect_dma source(%dma_start3A_29 : memref<100000x128xf32, #tpu.memory_space<hbm>>) target(%arg9 : memref<128x128xf32, #tpu.memory_space<vmem>>) offsets(%dma_start3A_26 : memref<128xi32, #tpu.memory_space<vmem>>) semaphore(%arg16 : memref<!tpu.dma_semaphore, #tpu.memory_space<semaphore_mem>>)
    %dma_start3A_30 = arith.constant 4 : i32
    %dma_start3A_31 = arith.constant 0 : i32
    %dma_start3A_32 = tpu.memref_slice %arg5[%dma_start3A_30, %dma_start3A_31] : memref<10x128xi32, #tpu.memory_space<vmem>> -> memref<1x128xi32, #tpu.memory_space<vmem>>
    %dma_start3A_33 = tpu.memref_squeeze %dma_start3A_32 : memref<1x128xi32, #tpu.memory_space<vmem>> -> memref<128xi32, #tpu.memory_space<vmem>>
    %dma_start3A_34 = arith.constant 0 : i32
    %dma_start3A_35 = arith.constant 0 : i32
    %dma_start3A_36 = tpu.memref_slice %arg2[%dma_start3A_34, %dma_start3A_35] : memref<100000x128xf32, #tpu.memory_space<hbm>> -> memref<100000x128xf32, #tpu.memory_space<hbm>>
    tpu.enqueue_indirect_dma source(%dma_start3A_36 : memref<100000x128xf32, #tpu.memory_space<hbm>>) target(%arg10 : memref<128x128xf32, #tpu.memory_space<vmem>>) offsets(%dma_start3A_33 : memref<128xi32, #tpu.memory_space<vmem>>) semaphore(%arg17 : memref<!tpu.dma_semaphore, #tpu.memory_space<semaphore_mem>>)
    %dma_start3A_37 = arith.constant 5 : i32
    %dma_start3A_38 = arith.constant 0 : i32
    %dma_start3A_39 = tpu.memref_slice %arg5[%dma_start3A_37, %dma_start3A_38] : memref<10x128xi32, #tpu.memory_space<vmem>> -> memref<1x128xi32, #tpu.memory_space<vmem>>
    %dma_start3A_40 = tpu.memref_squeeze %dma_start3A_39 : memref<1x128xi32, #tpu.memory_space<vmem>> -> memref<128xi32, #tpu.memory_space<vmem>>
    %dma_start3A_41 = arith.constant 0 : i32
    %dma_start3A_42 = arith.constant 0 : i32
    %dma_start3A_43 = tpu.memref_slice %arg2[%dma_start3A_41, %dma_start3A_42] : memref<100000x128xf32, #tpu.memory_space<hbm>> -> memref<100000x128xf32, #tpu.memory_space<hbm>>
    tpu.enqueue_indirect_dma source(%dma_start3A_43 : memref<100000x128xf32, #tpu.memory_space<hbm>>) target(%arg11 : memref<128x128xf32, #tpu.memory_space<vmem>>) offsets(%dma_start3A_40 : memref<128xi32, #tpu.memory_space<vmem>>) semaphore(%arg18 : memref<!tpu.dma_semaphore, #tpu.memory_space<semaphore_mem>>)
    %dma_wait3A = arith.constant 0 : i32
    %dma_wait3A_44 = arith.constant 0 : i32
    %dma_wait3A_45 = tpu.memref_slice %arg5[%dma_wait3A, %dma_wait3A_44] : memref<10x128xi32, #tpu.memory_space<vmem>> -> memref<1x128xi32, #tpu.memory_space<vmem>>
    %dma_wait3A_46 = tpu.memref_squeeze %dma_wait3A_45 : memref<1x128xi32, #tpu.memory_space<vmem>> -> memref<128xi32, #tpu.memory_space<vmem>>
    %dma_wait3A_47 = arith.constant 0 : i32
    %dma_wait3A_48 = arith.constant 0 : i32
    %dma_wait3A_49 = tpu.memref_slice %arg2[%dma_wait3A_47, %dma_wait3A_48] : memref<100000x128xf32, #tpu.memory_space<hbm>> -> memref<100000x128xf32, #tpu.memory_space<hbm>>
    tpu.wait_indirect_dma semaphore(%arg13 : memref<!tpu.dma_semaphore, #tpu.memory_space<semaphore_mem>>) src(%dma_wait3A_49 : memref<100000x128xf32, #tpu.memory_space<hbm>>) dst(%arg6 : memref<128x128xf32, #tpu.memory_space<vmem>>)
    %add3A_50 = arith.constant 0 : i32
    %add3A_51 = arith.addi %mul3A_2, %add3A_50 : i32
    %dma_start3A_52 = arith.constant 0 : i32
    %dma_start3A_53 = tpu.memref_slice %arg4[%add3A_51, %dma_start3A_52] : memref<40960x128xf32, #tpu.memory_space<hbm>> -> memref<128x128xf32, #tpu.memory_space<hbm>>
    %dma_start3A_54 = arith.constant 0 : i32
    %dma_start3A_55 = tpu.memref_slice %arg4[%add3A_51, %dma_start3A_54] : memref<40960x128xf32, #tpu.memory_space<hbm>> -> memref<128x128xf32, #tpu.memory_space<hbm>>
    tpu.enqueue_dma source(%arg6 : memref<128x128xf32, #tpu.memory_space<vmem>>) target(%dma_start3A_55 : memref<128x128xf32, #tpu.memory_space<hbm>>) target_semaphore(%arg20 : memref<!tpu.dma_semaphore, #tpu.memory_space<semaphore_mem>>)
    %dma_start3A_56 = arith.constant 6 : i32
    %dma_start3A_57 = arith.constant 0 : i32
    %dma_start3A_58 = tpu.memref_slice %arg5[%dma_start3A_56, %dma_start3A_57] : memref<10x128xi32, #tpu.memory_space<vmem>> -> memref<1x128xi32, #tpu.memory_space<vmem>>
    %dma_start3A_59 = tpu.memref_squeeze %dma_start3A_58 : memref<1x128xi32, #tpu.memory_space<vmem>> -> memref<128xi32, #tpu.memory_space<vmem>>
    %dma_start3A_60 = arith.constant 0 : i32
    %dma_start3A_61 = arith.constant 0 : i32
    %dma_start3A_62 = tpu.memref_slice %arg2[%dma_start3A_60, %dma_start3A_61] : memref<100000x128xf32, #tpu.memory_space<hbm>> -> memref<100000x128xf32, #tpu.memory_space<hbm>>
    tpu.enqueue_indirect_dma source(%dma_start3A_62 : memref<100000x128xf32, #tpu.memory_space<hbm>>) target(%arg12 : memref<128x128xf32, #tpu.memory_space<vmem>>) offsets(%dma_start3A_59 : memref<128xi32, #tpu.memory_space<vmem>>) semaphore(%arg19 : memref<!tpu.dma_semaphore, #tpu.memory_space<semaphore_mem>>)
    %dma_wait3A_63 = arith.constant 1 : i32
    %dma_wait3A_64 = arith.constant 0 : i32
    %dma_wait3A_65 = tpu.memref_slice %arg5[%dma_wait3A_63, %dma_wait3A_64] : memref<10x128xi32, #tpu.memory_space<vmem>> -> memref<1x128xi32, #tpu.memory_space<vmem>>
    %dma_wait3A_66 = tpu.memref_squeeze %dma_wait3A_65 : memref<1x128xi32, #tpu.memory_space<vmem>> -> memref<128xi32, #tpu.memory_space<vmem>>
    %dma_wait3A_67 = arith.constant 0 : i32
    %dma_wait3A_68 = arith.constant 0 : i32
    %dma_wait3A_69 = tpu.memref_slice %arg2[%dma_wait3A_67, %dma_wait3A_68] : memref<100000x128xf32, #tpu.memory_space<hbm>> -> memref<100000x128xf32, #tpu.memory_space<hbm>>
    tpu.wait_indirect_dma semaphore(%arg14 : memref<!tpu.dma_semaphore, #tpu.memory_space<semaphore_mem>>) src(%dma_wait3A_69 : memref<100000x128xf32, #tpu.memory_space<hbm>>) dst(%arg7 : memref<128x128xf32, #tpu.memory_space<vmem>>)
    %add3A_70 = arith.constant 128 : i32
    %add3A_71 = arith.addi %mul3A_2, %add3A_70 : i32
    %dma_start3A_72 = arith.constant 0 : i32
    %dma_start3A_73 = tpu.memref_slice %arg4[%add3A_71, %dma_start3A_72] : memref<40960x128xf32, #tpu.memory_space<hbm>> -> memref<128x128xf32, #tpu.memory_space<hbm>>
    %dma_start3A_74 = arith.constant 0 : i32
    %dma_start3A_75 = tpu.memref_slice %arg4[%add3A_71, %dma_start3A_74] : memref<40960x128xf32, #tpu.memory_space<hbm>> -> memref<128x128xf32, #tpu.memory_space<hbm>>
    tpu.enqueue_dma source(%arg7 : memref<128x128xf32, #tpu.memory_space<vmem>>) target(%dma_start3A_75 : memref<128x128xf32, #tpu.memory_space<hbm>>) target_semaphore(%arg21 : memref<!tpu.dma_semaphore, #tpu.memory_space<semaphore_mem>>)
    %dma_wait3A_76 = arith.constant 0 : i32
    %dma_wait3A_77 = tpu.memref_slice %arg4[%add3A_51, %dma_wait3A_76] : memref<40960x128xf32, #tpu.memory_space<hbm>> -> memref<128x128xf32, #tpu.memory_space<hbm>>
    %dma_wait3A_78 = arith.constant 0 : i32
    %dma_wait3A_79 = tpu.memref_slice %arg4[%add3A_51, %dma_wait3A_78] : memref<40960x128xf32, #tpu.memory_space<hbm>> -> memref<128x128xf32, #tpu.memory_space<hbm>>
    tpu.wait_dma2 semaphore(%arg20 : memref<!tpu.dma_semaphore, #tpu.memory_space<semaphore_mem>>) src(%arg6 : memref<128x128xf32, #tpu.memory_space<vmem>>) dst(%dma_wait3A_79 : memref<128x128xf32, #tpu.memory_space<hbm>>)
    %dma_start3A_80 = arith.constant 7 : i32
    %dma_start3A_81 = arith.constant 0 : i32
    %dma_start3A_82 = tpu.memref_slice %arg5[%dma_start3A_80, %dma_start3A_81] : memref<10x128xi32, #tpu.memory_space<vmem>> -> memref<1x128xi32, #tpu.memory_space<vmem>>
    %dma_start3A_83 = tpu.memref_squeeze %dma_start3A_82 : memref<1x128xi32, #tpu.memory_space<vmem>> -> memref<128xi32, #tpu.memory_space<vmem>>
    %dma_start3A_84 = arith.constant 0 : i32
    %dma_start3A_85 = arith.constant 0 : i32
    %dma_start3A_86 = tpu.memref_slice %arg2[%dma_start3A_84, %dma_start3A_85] : memref<100000x128xf32, #tpu.memory_space<hbm>> -> memref<100000x128xf32, #tpu.memory_space<hbm>>
    tpu.enqueue_indirect_dma source(%dma_start3A_86 : memref<100000x128xf32, #tpu.memory_space<hbm>>) target(%arg6 : memref<128x128xf32, #tpu.memory_space<vmem>>) offsets(%dma_start3A_83 : memref<128xi32, #tpu.memory_space<vmem>>) semaphore(%arg13 : memref<!tpu.dma_semaphore, #tpu.memory_space<semaphore_mem>>)
    %dma_wait3A_87 = arith.constant 2 : i32
    %dma_wait3A_88 = arith.constant 0 : i32
    %dma_wait3A_89 = tpu.memref_slice %arg5[%dma_wait3A_87, %dma_wait3A_88] : memref<10x128xi32, #tpu.memory_space<vmem>> -> memref<1x128xi32, #tpu.memory_space<vmem>>
    %dma_wait3A_90 = tpu.memref_squeeze %dma_wait3A_89 : memref<1x128xi32, #tpu.memory_space<vmem>> -> memref<128xi32, #tpu.memory_space<vmem>>
    %dma_wait3A_91 = arith.constant 0 : i32
    %dma_wait3A_92 = arith.constant 0 : i32
    %dma_wait3A_93 = tpu.memref_slice %arg2[%dma_wait3A_91, %dma_wait3A_92] : memref<100000x128xf32, #tpu.memory_space<hbm>> -> memref<100000x128xf32, #tpu.memory_space<hbm>>
    tpu.wait_indirect_dma semaphore(%arg15 : memref<!tpu.dma_semaphore, #tpu.memory_space<semaphore_mem>>) src(%dma_wait3A_93 : memref<100000x128xf32, #tpu.memory_space<hbm>>) dst(%arg8 : memref<128x128xf32, #tpu.memory_space<vmem>>)
    %add3A_94 = arith.constant 256 : i32
    %add3A_95 = arith.addi %mul3A_2, %add3A_94 : i32
    %dma_start3A_96 = arith.constant 0 : i32
    %dma_start3A_97 = tpu.memref_slice %arg4[%add3A_95, %dma_start3A_96] : memref<40960x128xf32, #tpu.memory_space<hbm>> -> memref<128x128xf32, #tpu.memory_space<hbm>>
    %dma_start3A_98 = arith.constant 0 : i32
    %dma_start3A_99 = tpu.memref_slice %arg4[%add3A_95, %dma_start3A_98] : memref<40960x128xf32, #tpu.memory_space<hbm>> -> memref<128x128xf32, #tpu.memory_space<hbm>>
    tpu.enqueue_dma source(%arg8 : memref<128x128xf32, #tpu.memory_space<vmem>>) target(%dma_start3A_99 : memref<128x128xf32, #tpu.memory_space<hbm>>) target_semaphore(%arg22 : memref<!tpu.dma_semaphore, #tpu.memory_space<semaphore_mem>>)
    %dma_wait3A_100 = arith.constant 0 : i32
    %dma_wait3A_101 = tpu.memref_slice %arg4[%add3A_71, %dma_wait3A_100] : memref<40960x128xf32, #tpu.memory_space<hbm>> -> memref<128x128xf32, #tpu.memory_space<hbm>>
    %dma_wait3A_102 = arith.constant 0 : i32
    %dma_wait3A_103 = tpu.memref_slice %arg4[%add3A_71, %dma_wait3A_102] : memref<40960x128xf32, #tpu.memory_space<hbm>> -> memref<128x128xf32, #tpu.memory_space<hbm>>
    tpu.wait_dma2 semaphore(%arg21 : memref<!tpu.dma_semaphore, #tpu.memory_space<semaphore_mem>>) src(%arg7 : memref<128x128xf32, #tpu.memory_space<vmem>>) dst(%dma_wait3A_103 : memref<128x128xf32, #tpu.memory_space<hbm>>)
    %dma_start3A_104 = arith.constant 8 : i32
    %dma_start3A_105 = arith.constant 0 : i32
    %dma_start3A_106 = tpu.memref_slice %arg5[%dma_start3A_104, %dma_start3A_105] : memref<10x128xi32, #tpu.memory_space<vmem>> -> memref<1x128xi32, #tpu.memory_space<vmem>>
    %dma_start3A_107 = tpu.memref_squeeze %dma_start3A_106 : memref<1x128xi32, #tpu.memory_space<vmem>> -> memref<128xi32, #tpu.memory_space<vmem>>
    %dma_start3A_108 = arith.constant 0 : i32
    %dma_start3A_109 = arith.constant 0 : i32
    %dma_start3A_110 = tpu.memref_slice %arg2[%dma_start3A_108, %dma_start3A_109] : memref<100000x128xf32, #tpu.memory_space<hbm>> -> memref<100000x128xf32, #tpu.memory_space<hbm>>
    tpu.enqueue_indirect_dma source(%dma_start3A_110 : memref<100000x128xf32, #tpu.memory_space<hbm>>) target(%arg7 : memref<128x128xf32, #tpu.memory_space<vmem>>) offsets(%dma_start3A_107 : memref<128xi32, #tpu.memory_space<vmem>>) semaphore(%arg14 : memref<!tpu.dma_semaphore, #tpu.memory_space<semaphore_mem>>)
    %dma_wait3A_111 = arith.constant 3 : i32
    %dma_wait3A_112 = arith.constant 0 : i32
    %dma_wait3A_113 = tpu.memref_slice %arg5[%dma_wait3A_111, %dma_wait3A_112] : memref<10x128xi32, #tpu.memory_space<vmem>> -> memref<1x128xi32, #tpu.memory_space<vmem>>
    %dma_wait3A_114 = tpu.memref_squeeze %dma_wait3A_113 : memref<1x128xi32, #tpu.memory_space<vmem>> -> memref<128xi32, #tpu.memory_space<vmem>>
    %dma_wait3A_115 = arith.constant 0 : i32
    %dma_wait3A_116 = arith.constant 0 : i32
    %dma_wait3A_117 = tpu.memref_slice %arg2[%dma_wait3A_115, %dma_wait3A_116] : memref<100000x128xf32, #tpu.memory_space<hbm>> -> memref<100000x128xf32, #tpu.memory_space<hbm>>
    tpu.wait_indirect_dma semaphore(%arg16 : memref<!tpu.dma_semaphore, #tpu.memory_space<semaphore_mem>>) src(%dma_wait3A_117 : memref<100000x128xf32, #tpu.memory_space<hbm>>) dst(%arg9 : memref<128x128xf32, #tpu.memory_space<vmem>>)
    %add3A_118 = arith.constant 384 : i32
    %add3A_119 = arith.addi %mul3A_2, %add3A_118 : i32
    %dma_start3A_120 = arith.constant 0 : i32
    %dma_start3A_121 = tpu.memref_slice %arg4[%add3A_119, %dma_start3A_120] : memref<40960x128xf32, #tpu.memory_space<hbm>> -> memref<128x128xf32, #tpu.memory_space<hbm>>
    %dma_start3A_122 = arith.constant 0 : i32
    %dma_start3A_123 = tpu.memref_slice %arg4[%add3A_119, %dma_start3A_122] : memref<40960x128xf32, #tpu.memory_space<hbm>> -> memref<128x128xf32, #tpu.memory_space<hbm>>
    tpu.enqueue_dma source(%arg9 : memref<128x128xf32, #tpu.memory_space<vmem>>) target(%dma_start3A_123 : memref<128x128xf32, #tpu.memory_space<hbm>>) target_semaphore(%arg23 : memref<!tpu.dma_semaphore, #tpu.memory_space<semaphore_mem>>)
    %dma_wait3A_124 = arith.constant 0 : i32
    %dma_wait3A_125 = tpu.memref_slice %arg4[%add3A_95, %dma_wait3A_124] : memref<40960x128xf32, #tpu.memory_space<hbm>> -> memref<128x128xf32, #tpu.memory_space<hbm>>
    %dma_wait3A_126 = arith.constant 0 : i32
    %dma_wait3A_127 = tpu.memref_slice %arg4[%add3A_95, %dma_wait3A_126] : memref<40960x128xf32, #tpu.memory_space<hbm>> -> memref<128x128xf32, #tpu.memory_space<hbm>>
    tpu.wait_dma2 semaphore(%arg22 : memref<!tpu.dma_semaphore, #tpu.memory_space<semaphore_mem>>) src(%arg8 : memref<128x128xf32, #tpu.memory_space<vmem>>) dst(%dma_wait3A_127 : memref<128x128xf32, #tpu.memory_space<hbm>>)
    %dma_start3A_128 = arith.constant 9 : i32
    %dma_start3A_129 = arith.constant 0 : i32
    %dma_start3A_130 = tpu.memref_slice %arg5[%dma_start3A_128, %dma_start3A_129] : memref<10x128xi32, #tpu.memory_space<vmem>> -> memref<1x128xi32, #tpu.memory_space<vmem>>
    %dma_start3A_131 = tpu.memref_squeeze %dma_start3A_130 : memref<1x128xi32, #tpu.memory_space<vmem>> -> memref<128xi32, #tpu.memory_space<vmem>>
    %dma_start3A_132 = arith.constant 0 : i32
    %dma_start3A_133 = arith.constant 0 : i32
    %dma_start3A_134 = tpu.memref_slice %arg2[%dma_start3A_132, %dma_start3A_133] : memref<100000x128xf32, #tpu.memory_space<hbm>> -> memref<100000x128xf32, #tpu.memory_space<hbm>>
    tpu.enqueue_indirect_dma source(%dma_start3A_134 : memref<100000x128xf32, #tpu.memory_space<hbm>>) target(%arg8 : memref<128x128xf32, #tpu.memory_space<vmem>>) offsets(%dma_start3A_131 : memref<128xi32, #tpu.memory_space<vmem>>) semaphore(%arg15 : memref<!tpu.dma_semaphore, #tpu.memory_space<semaphore_mem>>)
    %dma_wait3A_135 = arith.constant 4 : i32
    %dma_wait3A_136 = arith.constant 0 : i32
    %dma_wait3A_137 = tpu.memref_slice %arg5[%dma_wait3A_135, %dma_wait3A_136] : memref<10x128xi32, #tpu.memory_space<vmem>> -> memref<1x128xi32, #tpu.memory_space<vmem>>
    %dma_wait3A_138 = tpu.memref_squeeze %dma_wait3A_137 : memref<1x128xi32, #tpu.memory_space<vmem>> -> memref<128xi32, #tpu.memory_space<vmem>>
    %dma_wait3A_139 = arith.constant 0 : i32
    %dma_wait3A_140 = arith.constant 0 : i32
    %dma_wait3A_141 = tpu.memref_slice %arg2[%dma_wait3A_139, %dma_wait3A_140] : memref<100000x128xf32, #tpu.memory_space<hbm>> -> memref<100000x128xf32, #tpu.memory_space<hbm>>
    tpu.wait_indirect_dma semaphore(%arg17 : memref<!tpu.dma_semaphore, #tpu.memory_space<semaphore_mem>>) src(%dma_wait3A_141 : memref<100000x128xf32, #tpu.memory_space<hbm>>) dst(%arg10 : memref<128x128xf32, #tpu.memory_space<vmem>>)
    %add3A_142 = arith.constant 512 : i32
    %add3A_143 = arith.addi %mul3A_2, %add3A_142 : i32
    %dma_start3A_144 = arith.constant 0 : i32
    %dma_start3A_145 = tpu.memref_slice %arg4[%add3A_143, %dma_start3A_144] : memref<40960x128xf32, #tpu.memory_space<hbm>> -> memref<128x128xf32, #tpu.memory_space<hbm>>
    %dma_start3A_146 = arith.constant 0 : i32
    %dma_start3A_147 = tpu.memref_slice %arg4[%add3A_143, %dma_start3A_146] : memref<40960x128xf32, #tpu.memory_space<hbm>> -> memref<128x128xf32, #tpu.memory_space<hbm>>
    tpu.enqueue_dma source(%arg10 : memref<128x128xf32, #tpu.memory_space<vmem>>) target(%dma_start3A_147 : memref<128x128xf32, #tpu.memory_space<hbm>>) target_semaphore(%arg24 : memref<!tpu.dma_semaphore, #tpu.memory_space<semaphore_mem>>)
    %dma_wait3A_148 = arith.constant 5 : i32
    %dma_wait3A_149 = arith.constant 0 : i32
    %dma_wait3A_150 = tpu.memref_slice %arg5[%dma_wait3A_148, %dma_wait3A_149] : memref<10x128xi32, #tpu.memory_space<vmem>> -> memref<1x128xi32, #tpu.memory_space<vmem>>
    %dma_wait3A_151 = tpu.memref_squeeze %dma_wait3A_150 : memref<1x128xi32, #tpu.memory_space<vmem>> -> memref<128xi32, #tpu.memory_space<vmem>>
    %dma_wait3A_152 = arith.constant 0 : i32
    %dma_wait3A_153 = arith.constant 0 : i32
    %dma_wait3A_154 = tpu.memref_slice %arg2[%dma_wait3A_152, %dma_wait3A_153] : memref<100000x128xf32, #tpu.memory_space<hbm>> -> memref<100000x128xf32, #tpu.memory_space<hbm>>
    tpu.wait_indirect_dma semaphore(%arg18 : memref<!tpu.dma_semaphore, #tpu.memory_space<semaphore_mem>>) src(%dma_wait3A_154 : memref<100000x128xf32, #tpu.memory_space<hbm>>) dst(%arg11 : memref<128x128xf32, #tpu.memory_space<vmem>>)
    %add3A_155 = arith.constant 640 : i32
    %add3A_156 = arith.addi %mul3A_2, %add3A_155 : i32
    %dma_start3A_157 = arith.constant 0 : i32
    %dma_start3A_158 = tpu.memref_slice %arg4[%add3A_156, %dma_start3A_157] : memref<40960x128xf32, #tpu.memory_space<hbm>> -> memref<128x128xf32, #tpu.memory_space<hbm>>
    %dma_start3A_159 = arith.constant 0 : i32
    %dma_start3A_160 = tpu.memref_slice %arg4[%add3A_156, %dma_start3A_159] : memref<40960x128xf32, #tpu.memory_space<hbm>> -> memref<128x128xf32, #tpu.memory_space<hbm>>
    tpu.enqueue_dma source(%arg11 : memref<128x128xf32, #tpu.memory_space<vmem>>) target(%dma_start3A_160 : memref<128x128xf32, #tpu.memory_space<hbm>>) target_semaphore(%arg25 : memref<!tpu.dma_semaphore, #tpu.memory_space<semaphore_mem>>)
    %dma_wait3A_161 = arith.constant 6 : i32
    %dma_wait3A_162 = arith.constant 0 : i32
    %dma_wait3A_163 = tpu.memref_slice %arg5[%dma_wait3A_161, %dma_wait3A_162] : memref<10x128xi32, #tpu.memory_space<vmem>> -> memref<1x128xi32, #tpu.memory_space<vmem>>
    %dma_wait3A_164 = tpu.memref_squeeze %dma_wait3A_163 : memref<1x128xi32, #tpu.memory_space<vmem>> -> memref<128xi32, #tpu.memory_space<vmem>>
    %dma_wait3A_165 = arith.constant 0 : i32
    %dma_wait3A_166 = arith.constant 0 : i32
    %dma_wait3A_167 = tpu.memref_slice %arg2[%dma_wait3A_165, %dma_wait3A_166] : memref<100000x128xf32, #tpu.memory_space<hbm>> -> memref<100000x128xf32, #tpu.memory_space<hbm>>
    tpu.wait_indirect_dma semaphore(%arg19 : memref<!tpu.dma_semaphore, #tpu.memory_space<semaphore_mem>>) src(%dma_wait3A_167 : memref<100000x128xf32, #tpu.memory_space<hbm>>) dst(%arg12 : memref<128x128xf32, #tpu.memory_space<vmem>>)
    %add3A_168 = arith.constant 768 : i32
    %add3A_169 = arith.addi %mul3A_2, %add3A_168 : i32
    %dma_start3A_170 = arith.constant 0 : i32
    %dma_start3A_171 = tpu.memref_slice %arg4[%add3A_169, %dma_start3A_170] : memref<40960x128xf32, #tpu.memory_space<hbm>> -> memref<128x128xf32, #tpu.memory_space<hbm>>
    %dma_start3A_172 = arith.constant 0 : i32
    %dma_start3A_173 = tpu.memref_slice %arg4[%add3A_169, %dma_start3A_172] : memref<40960x128xf32, #tpu.memory_space<hbm>> -> memref<128x128xf32, #tpu.memory_space<hbm>>
    tpu.enqueue_dma source(%arg12 : memref<128x128xf32, #tpu.memory_space<vmem>>) target(%dma_start3A_173 : memref<128x128xf32, #tpu.memory_space<hbm>>) target_semaphore(%arg26 : memref<!tpu.dma_semaphore, #tpu.memory_space<semaphore_mem>>)
    %dma_wait3A_174 = arith.constant 7 : i32
    %dma_wait3A_175 = arith.constant 0 : i32
    %dma_wait3A_176 = tpu.memref_slice %arg5[%dma_wait3A_174, %dma_wait3A_175] : memref<10x128xi32, #tpu.memory_space<vmem>> -> memref<1x128xi32, #tpu.memory_space<vmem>>
    %dma_wait3A_177 = tpu.memref_squeeze %dma_wait3A_176 : memref<1x128xi32, #tpu.memory_space<vmem>> -> memref<128xi32, #tpu.memory_space<vmem>>
    %dma_wait3A_178 = arith.constant 0 : i32
    %dma_wait3A_179 = arith.constant 0 : i32
    %dma_wait3A_180 = tpu.memref_slice %arg2[%dma_wait3A_178, %dma_wait3A_179] : memref<100000x128xf32, #tpu.memory_space<hbm>> -> memref<100000x128xf32, #tpu.memory_space<hbm>>
    tpu.wait_indirect_dma semaphore(%arg13 : memref<!tpu.dma_semaphore, #tpu.memory_space<semaphore_mem>>) src(%dma_wait3A_180 : memref<100000x128xf32, #tpu.memory_space<hbm>>) dst(%arg6 : memref<128x128xf32, #tpu.memory_space<vmem>>)
    %add3A_181 = arith.constant 896 : i32
    %add3A_182 = arith.addi %mul3A_2, %add3A_181 : i32
    %dma_start3A_183 = arith.constant 0 : i32
    %dma_start3A_184 = tpu.memref_slice %arg4[%add3A_182, %dma_start3A_183] : memref<40960x128xf32, #tpu.memory_space<hbm>> -> memref<128x128xf32, #tpu.memory_space<hbm>>
    %dma_start3A_185 = arith.constant 0 : i32
    %dma_start3A_186 = tpu.memref_slice %arg4[%add3A_182, %dma_start3A_185] : memref<40960x128xf32, #tpu.memory_space<hbm>> -> memref<128x128xf32, #tpu.memory_space<hbm>>
    tpu.enqueue_dma source(%arg6 : memref<128x128xf32, #tpu.memory_space<vmem>>) target(%dma_start3A_186 : memref<128x128xf32, #tpu.memory_space<hbm>>) target_semaphore(%arg20 : memref<!tpu.dma_semaphore, #tpu.memory_space<semaphore_mem>>)
    %dma_wait3A_187 = arith.constant 8 : i32
    %dma_wait3A_188 = arith.constant 0 : i32
    %dma_wait3A_189 = tpu.memref_slice %arg5[%dma_wait3A_187, %dma_wait3A_188] : memref<10x128xi32, #tpu.memory_space<vmem>> -> memref<1x128xi32, #tpu.memory_space<vmem>>
    %dma_wait3A_190 = tpu.memref_squeeze %dma_wait3A_189 : memref<1x128xi32, #tpu.memory_space<vmem>> -> memref<128xi32, #tpu.memory_space<vmem>>
    %dma_wait3A_191 = arith.constant 0 : i32
    %dma_wait3A_192 = arith.constant 0 : i32
    %dma_wait3A_193 = tpu.memref_slice %arg2[%dma_wait3A_191, %dma_wait3A_192] : memref<100000x128xf32, #tpu.memory_space<hbm>> -> memref<100000x128xf32, #tpu.memory_space<hbm>>
    tpu.wait_indirect_dma semaphore(%arg14 : memref<!tpu.dma_semaphore, #tpu.memory_space<semaphore_mem>>) src(%dma_wait3A_193 : memref<100000x128xf32, #tpu.memory_space<hbm>>) dst(%arg7 : memref<128x128xf32, #tpu.memory_space<vmem>>)
    %add3A_194 = arith.constant 1024 : i32
    %add3A_195 = arith.addi %mul3A_2, %add3A_194 : i32
    %dma_start3A_196 = arith.constant 0 : i32
    %dma_start3A_197 = tpu.memref_slice %arg4[%add3A_195, %dma_start3A_196] : memref<40960x128xf32, #tpu.memory_space<hbm>> -> memref<128x128xf32, #tpu.memory_space<hbm>>
    %dma_start3A_198 = arith.constant 0 : i32
    %dma_start3A_199 = tpu.memref_slice %arg4[%add3A_195, %dma_start3A_198] : memref<40960x128xf32, #tpu.memory_space<hbm>> -> memref<128x128xf32, #tpu.memory_space<hbm>>
    tpu.enqueue_dma source(%arg7 : memref<128x128xf32, #tpu.memory_space<vmem>>) target(%dma_start3A_199 : memref<128x128xf32, #tpu.memory_space<hbm>>) target_semaphore(%arg21 : memref<!tpu.dma_semaphore, #tpu.memory_space<semaphore_mem>>)
    %dma_wait3A_200 = arith.constant 9 : i32
    %dma_wait3A_201 = arith.constant 0 : i32
    %dma_wait3A_202 = tpu.memref_slice %arg5[%dma_wait3A_200, %dma_wait3A_201] : memref<10x128xi32, #tpu.memory_space<vmem>> -> memref<1x128xi32, #tpu.memory_space<vmem>>
    %dma_wait3A_203 = tpu.memref_squeeze %dma_wait3A_202 : memref<1x128xi32, #tpu.memory_space<vmem>> -> memref<128xi32, #tpu.memory_space<vmem>>
    %dma_wait3A_204 = arith.constant 0 : i32
    %dma_wait3A_205 = arith.constant 0 : i32
    %dma_wait3A_206 = tpu.memref_slice %arg2[%dma_wait3A_204, %dma_wait3A_205] : memref<100000x128xf32, #tpu.memory_space<hbm>> -> memref<100000x128xf32, #tpu.memory_space<hbm>>
    tpu.wait_indirect_dma semaphore(%arg15 : memref<!tpu.dma_semaphore, #tpu.memory_space<semaphore_mem>>) src(%dma_wait3A_206 : memref<100000x128xf32, #tpu.memory_space<hbm>>) dst(%arg8 : memref<128x128xf32, #tpu.memory_space<vmem>>)
    %add3A_207 = arith.constant 1152 : i32
    %add3A_208 = arith.addi %mul3A_2, %add3A_207 : i32
    %dma_start3A_209 = arith.constant 0 : i32
    %dma_start3A_210 = tpu.memref_slice %arg4[%add3A_208, %dma_start3A_209] : memref<40960x128xf32, #tpu.memory_space<hbm>> -> memref<128x128xf32, #tpu.memory_space<hbm>>
    %dma_start3A_211 = arith.constant 0 : i32
    %dma_start3A_212 = tpu.memref_slice %arg4[%add3A_208, %dma_start3A_211] : memref<40960x128xf32, #tpu.memory_space<hbm>> -> memref<128x128xf32, #tpu.memory_space<hbm>>
    tpu.enqueue_dma source(%arg8 : memref<128x128xf32, #tpu.memory_space<vmem>>) target(%dma_start3A_212 : memref<128x128xf32, #tpu.memory_space<hbm>>) target_semaphore(%arg22 : memref<!tpu.dma_semaphore, #tpu.memory_space<semaphore_mem>>)
    %dma_wait3A_213 = arith.constant 0 : i32
    %dma_wait3A_214 = tpu.memref_slice %arg4[%add3A_119, %dma_wait3A_213] : memref<40960x128xf32, #tpu.memory_space<hbm>> -> memref<128x128xf32, #tpu.memory_space<hbm>>
    %dma_wait3A_215 = arith.constant 0 : i32
    %dma_wait3A_216 = tpu.memref_slice %arg4[%add3A_119, %dma_wait3A_215] : memref<40960x128xf32, #tpu.memory_space<hbm>> -> memref<128x128xf32, #tpu.memory_space<hbm>>
    tpu.wait_dma2 semaphore(%arg23 : memref<!tpu.dma_semaphore, #tpu.memory_space<semaphore_mem>>) src(%arg9 : memref<128x128xf32, #tpu.memory_space<vmem>>) dst(%dma_wait3A_216 : memref<128x128xf32, #tpu.memory_space<hbm>>)
    %dma_wait3A_217 = arith.constant 0 : i32
    %dma_wait3A_218 = tpu.memref_slice %arg4[%add3A_143, %dma_wait3A_217] : memref<40960x128xf32, #tpu.memory_space<hbm>> -> memref<128x128xf32, #tpu.memory_space<hbm>>
    %dma_wait3A_219 = arith.constant 0 : i32
    %dma_wait3A_220 = tpu.memref_slice %arg4[%add3A_143, %dma_wait3A_219] : memref<40960x128xf32, #tpu.memory_space<hbm>> -> memref<128x128xf32, #tpu.memory_space<hbm>>
    tpu.wait_dma2 semaphore(%arg24 : memref<!tpu.dma_semaphore, #tpu.memory_space<semaphore_mem>>) src(%arg10 : memref<128x128xf32, #tpu.memory_space<vmem>>) dst(%dma_wait3A_220 : memref<128x128xf32, #tpu.memory_space<hbm>>)
    %dma_wait3A_221 = arith.constant 0 : i32
    %dma_wait3A_222 = tpu.memref_slice %arg4[%add3A_156, %dma_wait3A_221] : memref<40960x128xf32, #tpu.memory_space<hbm>> -> memref<128x128xf32, #tpu.memory_space<hbm>>
    %dma_wait3A_223 = arith.constant 0 : i32
    %dma_wait3A_224 = tpu.memref_slice %arg4[%add3A_156, %dma_wait3A_223] : memref<40960x128xf32, #tpu.memory_space<hbm>> -> memref<128x128xf32, #tpu.memory_space<hbm>>
    tpu.wait_dma2 semaphore(%arg25 : memref<!tpu.dma_semaphore, #tpu.memory_space<semaphore_mem>>) src(%arg11 : memref<128x128xf32, #tpu.memory_space<vmem>>) dst(%dma_wait3A_224 : memref<128x128xf32, #tpu.memory_space<hbm>>)
    %dma_wait3A_225 = arith.constant 0 : i32
    %dma_wait3A_226 = tpu.memref_slice %arg4[%add3A_169, %dma_wait3A_225] : memref<40960x128xf32, #tpu.memory_space<hbm>> -> memref<128x128xf32, #tpu.memory_space<hbm>>
    %dma_wait3A_227 = arith.constant 0 : i32
    %dma_wait3A_228 = tpu.memref_slice %arg4[%add3A_169, %dma_wait3A_227] : memref<40960x128xf32, #tpu.memory_space<hbm>> -> memref<128x128xf32, #tpu.memory_space<hbm>>
    tpu.wait_dma2 semaphore(%arg26 : memref<!tpu.dma_semaphore, #tpu.memory_space<semaphore_mem>>) src(%arg12 : memref<128x128xf32, #tpu.memory_space<vmem>>) dst(%dma_wait3A_228 : memref<128x128xf32, #tpu.memory_space<hbm>>)
    %dma_wait3A_229 = arith.constant 0 : i32
    %dma_wait3A_230 = tpu.memref_slice %arg4[%add3A_182, %dma_wait3A_229] : memref<40960x128xf32, #tpu.memory_space<hbm>> -> memref<128x128xf32, #tpu.memory_space<hbm>>
    %dma_wait3A_231 = arith.constant 0 : i32
    %dma_wait3A_232 = tpu.memref_slice %arg4[%add3A_182, %dma_wait3A_231] : memref<40960x128xf32, #tpu.memory_space<hbm>> -> memref<128x128xf32, #tpu.memory_space<hbm>>
    tpu.wait_dma2 semaphore(%arg20 : memref<!tpu.dma_semaphore, #tpu.memory_space<semaphore_mem>>) src(%arg6 : memref<128x128xf32, #tpu.memory_space<vmem>>) dst(%dma_wait3A_232 : memref<128x128xf32, #tpu.memory_space<hbm>>)
    %dma_wait3A_233 = arith.constant 0 : i32
    %dma_wait3A_234 = tpu.memref_slice %arg4[%add3A_195, %dma_wait3A_233] : memref<40960x128xf32, #tpu.memory_space<hbm>> -> memref<128x128xf32, #tpu.memory_space<hbm>>
    %dma_wait3A_235 = arith.constant 0 : i32
    %dma_wait3A_236 = tpu.memref_slice %arg4[%add3A_195, %dma_wait3A_235] : memref<40960x128xf32, #tpu.memory_space<hbm>> -> memref<128x128xf32, #tpu.memory_space<hbm>>
    tpu.wait_dma2 semaphore(%arg21 : memref<!tpu.dma_semaphore, #tpu.memory_space<semaphore_mem>>) src(%arg7 : memref<128x128xf32, #tpu.memory_space<vmem>>) dst(%dma_wait3A_236 : memref<128x128xf32, #tpu.memory_space<hbm>>)
    %dma_wait3A_237 = arith.constant 0 : i32
    %dma_wait3A_238 = tpu.memref_slice %arg4[%add3A_208, %dma_wait3A_237] : memref<40960x128xf32, #tpu.memory_space<hbm>> -> memref<128x128xf32, #tpu.memory_space<hbm>>
    %dma_wait3A_239 = arith.constant 0 : i32
    %dma_wait3A_240 = tpu.memref_slice %arg4[%add3A_208, %dma_wait3A_239] : memref<40960x128xf32, #tpu.memory_space<hbm>> -> memref<128x128xf32, #tpu.memory_space<hbm>>
    tpu.wait_dma2 semaphore(%arg22 : memref<!tpu.dma_semaphore, #tpu.memory_space<semaphore_mem>>) src(%arg8 : memref<128x128xf32, #tpu.memory_space<vmem>>) dst(%dma_wait3A_240 : memref<128x128xf32, #tpu.memory_space<hbm>>)
    return
  }
}

#map = affine_map<(d0, d1) -> (0, 0)>
#map1 = affine_map<(d0, d1) -> (0, 0, 0)>
module attributes {stable_mosaic.version = 14 : i64} {
  func.func @gather_k(%arg0: i32, %arg1: i32, %arg2: memref<100000x128xf32, #tpu.memory_space<hbm>>, %arg3: memref<32x10x128xi32, #tpu.memory_space<hbm>>, %arg4: memref<40960x128xf32, #tpu.memory_space<hbm>>, %arg5: memref<10x128xi32, #tpu.memory_space<vmem>>, %arg6: memref<128x128xf32, #tpu.memory_space<vmem>>, %arg7: memref<128x128xf32, #tpu.memory_space<vmem>>, %arg8: memref<128x128xf32, #tpu.memory_space<vmem>>, %arg9: memref<128x128xf32, #tpu.memory_space<vmem>>, %arg10: memref<128x128xf32, #tpu.memory_space<vmem>>, %arg11: memref<128x128xf32, #tpu.memory_space<vmem>>, %arg12: memref<128x128xf32, #tpu.memory_space<vmem>>, %arg13: memref<!tpu.dma_semaphore, #tpu.memory_space<semaphore_mem>>, %arg14: memref<!tpu.dma_semaphore, #tpu.memory_space<semaphore_mem>>, %arg15: memref<!tpu.dma_semaphore, #tpu.memory_space<semaphore_mem>>, %arg16: memref<!tpu.dma_semaphore, #tpu.memory_space<semaphore_mem>>, %arg17: memref<!tpu.dma_semaphore, #tpu.memory_space<semaphore_mem>>, %arg18: memref<!tpu.dma_semaphore, #tpu.memory_space<semaphore_mem>>, %arg19: memref<!tpu.dma_semaphore, #tpu.memory_space<semaphore_mem>>, %arg20: memref<!tpu.dma_semaphore, #tpu.memory_space<semaphore_mem>>, %arg21: memref<!tpu.dma_semaphore, #tpu.memory_space<semaphore_mem>>, %arg22: memref<!tpu.dma_semaphore, #tpu.memory_space<semaphore_mem>>, %arg23: memref<!tpu.dma_semaphore, #tpu.memory_space<semaphore_mem>>, %arg24: memref<!tpu.dma_semaphore, #tpu.memory_space<semaphore_mem>>, %arg25: memref<!tpu.dma_semaphore, #tpu.memory_space<semaphore_mem>>, %arg26: memref<!tpu.dma_semaphore, #tpu.memory_space<semaphore_mem>>) attributes {dimension_semantics = [#tpu.dimension_semantics<core_parallel>, #tpu.dimension_semantics<subcore_parallel>], iteration_bounds = array<i64: 2, 16>, scalar_prefetch = 0 : i64, scratch_operands = 22 : i64, tpu.core_type = #tpu.core_type<sc_vector_subcore>, window_params = [{transform_indices = #map}, {transform_indices = #map1}, {transform_indices = #map}]} {
    %mul3A = arith.constant 2 : i32
    %mul3A_0 = arith.muli %arg1, %mul3A : i32
    %add3A = arith.addi %mul3A_0, %arg0 : i32
    %mul3A_1 = arith.constant 1280 : i32
    %mul3A_2 = arith.muli %add3A, %mul3A_1 : i32
    "tpu.region"() ({
      %run_scoped3A = tpu.sem_alloc : memref<!tpu.dma_semaphore, #tpu.memory_space<semaphore_mem>>
      %dma_start3A_241 = arith.constant 0 : i32
      %dma_start3A_242 = arith.constant 0 : i32
      %dma_start3A_243 = tpu.memref_slice %arg3[%add3A, %dma_start3A_241, %dma_start3A_242] : memref<32x10x128xi32, #tpu.memory_space<hbm>> -> memref<1x10x128xi32, #tpu.memory_space<hbm>>
      %dma_start3A_244 = tpu.memref_squeeze %dma_start3A_243 : memref<1x10x128xi32, #tpu.memory_space<hbm>> -> memref<10x128xi32, #tpu.memory_space<hbm>>
      %dma_start3A_245 = arith.constant 0 : i32
      %dma_start3A_246 = arith.constant 0 : i32
      %dma_start3A_247 = tpu.memref_slice %arg3[%add3A, %dma_start3A_245, %dma_start3A_246] : memref<32x10x128xi32, #tpu.memory_space<hbm>> -> memref<1x10x128xi32, #tpu.memory_space<hbm>>
      %dma_start3A_248 = tpu.memref_squeeze %dma_start3A_247 : memref<1x10x128xi32, #tpu.memory_space<hbm>> -> memref<10x128xi32, #tpu.memory_space<hbm>>
      tpu.enqueue_dma source(%dma_start3A_248 : memref<10x128xi32, #tpu.memory_space<hbm>>) target(%arg5 : memref<10x128xi32, #tpu.memory_space<vmem>>) target_semaphore(%run_scoped3A : memref<!tpu.dma_semaphore, #tpu.memory_space<semaphore_mem>>)
      %dma_wait3A_249 = arith.constant 0 : i32
      %dma_wait3A_250 = arith.constant 0 : i32
      %dma_wait3A_251 = tpu.memref_slice %arg3[%add3A, %dma_wait3A_249, %dma_wait3A_250] : memref<32x10x128xi32, #tpu.memory_space<hbm>> -> memref<1x10x128xi32, #tpu.memory_space<hbm>>
      %dma_wait3A_252 = tpu.memref_squeeze %dma_wait3A_251 : memref<1x10x128xi32, #tpu.memory_space<hbm>> -> memref<10x128xi32, #tpu.memory_space<hbm>>
      %dma_wait3A_253 = arith.constant 0 : i32
      %dma_wait3A_254 = arith.constant 0 : i32
      %dma_wait3A_255 = tpu.memref_slice %arg3[%add3A, %dma_wait3A_253, %dma_wait3A_254] : memref<32x10x128xi32, #tpu.memory_space<hbm>> -> memref<1x10x128xi32, #tpu.memory_space<hbm>>
      %dma_wait3A_256 = tpu.memref_squeeze %dma_wait3A_255 : memref<1x10x128xi32, #tpu.memory_space<hbm>> -> memref<10x128xi32, #tpu.memory_space<hbm>>
      tpu.wait_dma2 semaphore(%run_scoped3A : memref<!tpu.dma_semaphore, #tpu.memory_space<semaphore_mem>>) src(%dma_wait3A_256 : memref<10x128xi32, #tpu.memory_space<hbm>>) dst(%arg5 : memref<10x128xi32, #tpu.memory_space<vmem>>)
      tpu.yield
    }) : () -> ()
    %dma_start3A = arith.constant 0 : i32
    %dma_start3A_3 = arith.constant 0 : i32
    %dma_start3A_4 = tpu.memref_slice %arg5[%dma_start3A, %dma_start3A_3] : memref<10x128xi32, #tpu.memory_space<vmem>> -> memref<1x128xi32, #tpu.memory_space<vmem>>
    %dma_start3A_5 = tpu.memref_squeeze %dma_start3A_4 : memref<1x128xi32, #tpu.memory_space<vmem>> -> memref<128xi32, #tpu.memory_space<vmem>>
    %dma_start3A_6 = arith.constant 0 : i32
    %dma_start3A_7 = arith.constant 0 : i32
    %dma_start3A_8 = tpu.memref_slice %arg2[%dma_start3A_6, %dma_start3A_7] : memref<100000x128xf32, #tpu.memory_space<hbm>> -> memref<100000x128xf32, #tpu.memory_space<hbm>>
    tpu.enqueue_indirect_dma source(%dma_start3A_8 : memref<100000x128xf32, #tpu.memory_space<hbm>>) target(%arg6 : memref<128x128xf32, #tpu.memory_space<vmem>>) offsets(%dma_start3A_5 : memref<128xi32, #tpu.memory_space<vmem>>) semaphore(%arg13 : memref<!tpu.dma_semaphore, #tpu.memory_space<semaphore_mem>>)
    %dma_start3A_9 = arith.constant 1 : i32
    %dma_start3A_10 = arith.constant 0 : i32
    %dma_start3A_11 = tpu.memref_slice %arg5[%dma_start3A_9, %dma_start3A_10] : memref<10x128xi32, #tpu.memory_space<vmem>> -> memref<1x128xi32, #tpu.memory_space<vmem>>
    %dma_start3A_12 = tpu.memref_squeeze %dma_start3A_11 : memref<1x128xi32, #tpu.memory_space<vmem>> -> memref<128xi32, #tpu.memory_space<vmem>>
    %dma_start3A_13 = arith.constant 0 : i32
    %dma_start3A_14 = arith.constant 0 : i32
    %dma_start3A_15 = tpu.memref_slice %arg2[%dma_start3A_13, %dma_start3A_14] : memref<100000x128xf32, #tpu.memory_space<hbm>> -> memref<100000x128xf32, #tpu.memory_space<hbm>>
    tpu.enqueue_indirect_dma source(%dma_start3A_15 : memref<100000x128xf32, #tpu.memory_space<hbm>>) target(%arg7 : memref<128x128xf32, #tpu.memory_space<vmem>>) offsets(%dma_start3A_12 : memref<128xi32, #tpu.memory_space<vmem>>) semaphore(%arg14 : memref<!tpu.dma_semaphore, #tpu.memory_space<semaphore_mem>>)
    %dma_start3A_16 = arith.constant 2 : i32
    %dma_start3A_17 = arith.constant 0 : i32
    %dma_start3A_18 = tpu.memref_slice %arg5[%dma_start3A_16, %dma_start3A_17] : memref<10x128xi32, #tpu.memory_space<vmem>> -> memref<1x128xi32, #tpu.memory_space<vmem>>
    %dma_start3A_19 = tpu.memref_squeeze %dma_start3A_18 : memref<1x128xi32, #tpu.memory_space<vmem>> -> memref<128xi32, #tpu.memory_space<vmem>>
    %dma_start3A_20 = arith.constant 0 : i32
    %dma_start3A_21 = arith.constant 0 : i32
    %dma_start3A_22 = tpu.memref_slice %arg2[%dma_start3A_20, %dma_start3A_21] : memref<100000x128xf32, #tpu.memory_space<hbm>> -> memref<100000x128xf32, #tpu.memory_space<hbm>>
    tpu.enqueue_indirect_dma source(%dma_start3A_22 : memref<100000x128xf32, #tpu.memory_space<hbm>>) target(%arg8 : memref<128x128xf32, #tpu.memory_space<vmem>>) offsets(%dma_start3A_19 : memref<128xi32, #tpu.memory_space<vmem>>) semaphore(%arg15 : memref<!tpu.dma_semaphore, #tpu.memory_space<semaphore_mem>>)
    %dma_start3A_23 = arith.constant 3 : i32
    %dma_start3A_24 = arith.constant 0 : i32
    %dma_start3A_25 = tpu.memref_slice %arg5[%dma_start3A_23, %dma_start3A_24] : memref<10x128xi32, #tpu.memory_space<vmem>> -> memref<1x128xi32, #tpu.memory_space<vmem>>
    %dma_start3A_26 = tpu.memref_squeeze %dma_start3A_25 : memref<1x128xi32, #tpu.memory_space<vmem>> -> memref<128xi32, #tpu.memory_space<vmem>>
    %dma_start3A_27 = arith.constant 0 : i32
    %dma_start3A_28 = arith.constant 0 : i32
    %dma_start3A_29 = tpu.memref_slice %arg2[%dma_start3A_27, %dma_start3A_28] : memref<100000x128xf32, #tpu.memory_space<hbm>> -> memref<100000x128xf32, #tpu.memory_space<hbm>>
    tpu.enqueue_indirect_dma source(%dma_start3A_29 : memref<100000x128xf32, #tpu.memory_space<hbm>>) target(%arg9 : memref<128x128xf32, #tpu.memory_space<vmem>>) offsets(%dma_start3A_26 : memref<128xi32, #tpu.memory_space<vmem>>) semaphore(%arg16 : memref<!tpu.dma_semaphore, #tpu.memory_space<semaphore_mem>>)
    %dma_start3A_30 = arith.constant 4 : i32
    %dma_start3A_31 = arith.constant 0 : i32
    %dma_start3A_32 = tpu.memref_slice %arg5[%dma_start3A_30, %dma_start3A_31] : memref<10x128xi32, #tpu.memory_space<vmem>> -> memref<1x128xi32, #tpu.memory_space<vmem>>
    %dma_start3A_33 = tpu.memref_squeeze %dma_start3A_32 : memref<1x128xi32, #tpu.memory_space<vmem>> -> memref<128xi32, #tpu.memory_space<vmem>>
    %dma_start3A_34 = arith.constant 0 : i32
    %dma_start3A_35 = arith.constant 0 : i32
    %dma_start3A_36 = tpu.memref_slice %arg2[%dma_start3A_34, %dma_start3A_35] : memref<100000x128xf32, #tpu.memory_space<hbm>> -> memref<100000x128xf32, #tpu.memory_space<hbm>>
    tpu.enqueue_indirect_dma source(%dma_start3A_36 : memref<100000x128xf32, #tpu.memory_space<hbm>>) target(%arg10 : memref<128x128xf32, #tpu.memory_space<vmem>>) offsets(%dma_start3A_33 : memref<128xi32, #tpu.memory_space<vmem>>) semaphore(%arg17 : memref<!tpu.dma_semaphore, #tpu.memory_space<semaphore_mem>>)
    %dma_start3A_37 = arith.constant 5 : i32
    %dma_start3A_38 = arith.constant 0 : i32
    %dma_start3A_39 = tpu.memref_slice %arg5[%dma_start3A_37, %dma_start3A_38] : memref<10x128xi32, #tpu.memory_space<vmem>> -> memref<1x128xi32, #tpu.memory_space<vmem>>
    %dma_start3A_40 = tpu.memref_squeeze %dma_start3A_39 : memref<1x128xi32, #tpu.memory_space<vmem>> -> memref<128xi32, #tpu.memory_space<vmem>>
    %dma_start3A_41 = arith.constant 0 : i32
    %dma_start3A_42 = arith.constant 0 : i32
    %dma_start3A_43 = tpu.memref_slice %arg2[%dma_start3A_41, %dma_start3A_42] : memref<100000x128xf32, #tpu.memory_space<hbm>> -> memref<100000x128xf32, #tpu.memory_space<hbm>>
    tpu.enqueue_indirect_dma source(%dma_start3A_43 : memref<100000x128xf32, #tpu.memory_space<hbm>>) target(%arg11 : memref<128x128xf32, #tpu.memory_space<vmem>>) offsets(%dma_start3A_40 : memref<128xi32, #tpu.memory_space<vmem>>) semaphore(%arg18 : memref<!tpu.dma_semaphore, #tpu.memory_space<semaphore_mem>>)
    %dma_wait3A = arith.constant 0 : i32
    %dma_wait3A_44 = arith.constant 0 : i32
    %dma_wait3A_45 = tpu.memref_slice %arg5[%dma_wait3A, %dma_wait3A_44] : memref<10x128xi32, #tpu.memory_space<vmem>> -> memref<1x128xi32, #tpu.memory_space<vmem>>
    %dma_wait3A_46 = tpu.memref_squeeze %dma_wait3A_45 : memref<1x128xi32, #tpu.memory_space<vmem>> -> memref<128xi32, #tpu.memory_space<vmem>>
    %dma_wait3A_47 = arith.constant 0 : i32
    %dma_wait3A_48 = arith.constant 0 : i32
    %dma_wait3A_49 = tpu.memref_slice %arg2[%dma_wait3A_47, %dma_wait3A_48] : memref<100000x128xf32, #tpu.memory_space<hbm>> -> memref<100000x128xf32, #tpu.memory_space<hbm>>
    tpu.wait_indirect_dma semaphore(%arg13 : memref<!tpu.dma_semaphore, #tpu.memory_space<semaphore_mem>>) src(%dma_wait3A_49 : memref<100000x128xf32, #tpu.memory_space<hbm>>) dst(%arg6 : memref<128x128xf32, #tpu.memory_space<vmem>>)
    %add3A_50 = arith.constant 0 : i32
    %add3A_51 = arith.addi %mul3A_2, %add3A_50 : i32
    %dma_start3A_52 = arith.constant 0 : i32
    %dma_start3A_53 = tpu.memref_slice %arg4[%add3A_51, %dma_start3A_52] : memref<40960x128xf32, #tpu.memory_space<hbm>> -> memref<128x128xf32, #tpu.memory_space<hbm>>
    %dma_start3A_54 = arith.constant 0 : i32
    %dma_start3A_55 = tpu.memref_slice %arg4[%add3A_51, %dma_start3A_54] : memref<40960x128xf32, #tpu.memory_space<hbm>> -> memref<128x128xf32, #tpu.memory_space<hbm>>
    tpu.enqueue_dma source(%arg6 : memref<128x128xf32, #tpu.memory_space<vmem>>) target(%dma_start3A_55 : memref<128x128xf32, #tpu.memory_space<hbm>>) target_semaphore(%arg20 : memref<!tpu.dma_semaphore, #tpu.memory_space<semaphore_mem>>)
    %dma_start3A_56 = arith.constant 6 : i32
    %dma_start3A_57 = arith.constant 0 : i32
    %dma_start3A_58 = tpu.memref_slice %arg5[%dma_start3A_56, %dma_start3A_57] : memref<10x128xi32, #tpu.memory_space<vmem>> -> memref<1x128xi32, #tpu.memory_space<vmem>>
    %dma_start3A_59 = tpu.memref_squeeze %dma_start3A_58 : memref<1x128xi32, #tpu.memory_space<vmem>> -> memref<128xi32, #tpu.memory_space<vmem>>
    %dma_start3A_60 = arith.constant 0 : i32
    %dma_start3A_61 = arith.constant 0 : i32
    %dma_start3A_62 = tpu.memref_slice %arg2[%dma_start3A_60, %dma_start3A_61] : memref<100000x128xf32, #tpu.memory_space<hbm>> -> memref<100000x128xf32, #tpu.memory_space<hbm>>
    tpu.enqueue_indirect_dma source(%dma_start3A_62 : memref<100000x128xf32, #tpu.memory_space<hbm>>) target(%arg12 : memref<128x128xf32, #tpu.memory_space<vmem>>) offsets(%dma_start3A_59 : memref<128xi32, #tpu.memory_space<vmem>>) semaphore(%arg19 : memref<!tpu.dma_semaphore, #tpu.memory_space<semaphore_mem>>)
    %dma_wait3A_63 = arith.constant 1 : i32
    %dma_wait3A_64 = arith.constant 0 : i32
    %dma_wait3A_65 = tpu.memref_slice %arg5[%dma_wait3A_63, %dma_wait3A_64] : memref<10x128xi32, #tpu.memory_space<vmem>> -> memref<1x128xi32, #tpu.memory_space<vmem>>
    %dma_wait3A_66 = tpu.memref_squeeze %dma_wait3A_65 : memref<1x128xi32, #tpu.memory_space<vmem>> -> memref<128xi32, #tpu.memory_space<vmem>>
    %dma_wait3A_67 = arith.constant 0 : i32
    %dma_wait3A_68 = arith.constant 0 : i32
    %dma_wait3A_69 = tpu.memref_slice %arg2[%dma_wait3A_67, %dma_wait3A_68] : memref<100000x128xf32, #tpu.memory_space<hbm>> -> memref<100000x128xf32, #tpu.memory_space<hbm>>
    tpu.wait_indirect_dma semaphore(%arg14 : memref<!tpu.dma_semaphore, #tpu.memory_space<semaphore_mem>>) src(%dma_wait3A_69 : memref<100000x128xf32, #tpu.memory_space<hbm>>) dst(%arg7 : memref<128x128xf32, #tpu.memory_space<vmem>>)
    %add3A_70 = arith.constant 128 : i32
    %add3A_71 = arith.addi %mul3A_2, %add3A_70 : i32
    %dma_start3A_72 = arith.constant 0 : i32
    %dma_start3A_73 = tpu.memref_slice %arg4[%add3A_71, %dma_start3A_72] : memref<40960x128xf32, #tpu.memory_space<hbm>> -> memref<128x128xf32, #tpu.memory_space<hbm>>
    %dma_start3A_74 = arith.constant 0 : i32
    %dma_start3A_75 = tpu.memref_slice %arg4[%add3A_71, %dma_start3A_74] : memref<40960x128xf32, #tpu.memory_space<hbm>> -> memref<128x128xf32, #tpu.memory_space<hbm>>
    tpu.enqueue_dma source(%arg7 : memref<128x128xf32, #tpu.memory_space<vmem>>) target(%dma_start3A_75 : memref<128x128xf32, #tpu.memory_space<hbm>>) target_semaphore(%arg21 : memref<!tpu.dma_semaphore, #tpu.memory_space<semaphore_mem>>)
    %dma_wait3A_76 = arith.constant 0 : i32
    %dma_wait3A_77 = tpu.memref_slice %arg4[%add3A_51, %dma_wait3A_76] : memref<40960x128xf32, #tpu.memory_space<hbm>> -> memref<128x128xf32, #tpu.memory_space<hbm>>
    %dma_wait3A_78 = arith.constant 0 : i32
    %dma_wait3A_79 = tpu.memref_slice %arg4[%add3A_51, %dma_wait3A_78] : memref<40960x128xf32, #tpu.memory_space<hbm>> -> memref<128x128xf32, #tpu.memory_space<hbm>>
    tpu.wait_dma2 semaphore(%arg20 : memref<!tpu.dma_semaphore, #tpu.memory_space<semaphore_mem>>) src(%arg6 : memref<128x128xf32, #tpu.memory_space<vmem>>) dst(%dma_wait3A_79 : memref<128x128xf32, #tpu.memory_space<hbm>>)
    %dma_start3A_80 = arith.constant 7 : i32
    %dma_start3A_81 = arith.constant 0 : i32
    %dma_start3A_82 = tpu.memref_slice %arg5[%dma_start3A_80, %dma_start3A_81] : memref<10x128xi32, #tpu.memory_space<vmem>> -> memref<1x128xi32, #tpu.memory_space<vmem>>
    %dma_start3A_83 = tpu.memref_squeeze %dma_start3A_82 : memref<1x128xi32, #tpu.memory_space<vmem>> -> memref<128xi32, #tpu.memory_space<vmem>>
    %dma_start3A_84 = arith.constant 0 : i32
    %dma_start3A_85 = arith.constant 0 : i32
    %dma_start3A_86 = tpu.memref_slice %arg2[%dma_start3A_84, %dma_start3A_85] : memref<100000x128xf32, #tpu.memory_space<hbm>> -> memref<100000x128xf32, #tpu.memory_space<hbm>>
    tpu.enqueue_indirect_dma source(%dma_start3A_86 : memref<100000x128xf32, #tpu.memory_space<hbm>>) target(%arg6 : memref<128x128xf32, #tpu.memory_space<vmem>>) offsets(%dma_start3A_83 : memref<128xi32, #tpu.memory_space<vmem>>) semaphore(%arg13 : memref<!tpu.dma_semaphore, #tpu.memory_space<semaphore_mem>>)
    %dma_wait3A_87 = arith.constant 2 : i32
    %dma_wait3A_88 = arith.constant 0 : i32
    %dma_wait3A_89 = tpu.memref_slice %arg5[%dma_wait3A_87, %dma_wait3A_88] : memref<10x128xi32, #tpu.memory_space<vmem>> -> memref<1x128xi32, #tpu.memory_space<vmem>>
    %dma_wait3A_90 = tpu.memref_squeeze %dma_wait3A_89 : memref<1x128xi32, #tpu.memory_space<vmem>> -> memref<128xi32, #tpu.memory_space<vmem>>
    %dma_wait3A_91 = arith.constant 0 : i32
    %dma_wait3A_92 = arith.constant 0 : i32
    %dma_wait3A_93 = tpu.memref_slice %arg2[%dma_wait3A_91, %dma_wait3A_92] : memref<100000x128xf32, #tpu.memory_space<hbm>> -> memref<100000x128xf32, #tpu.memory_space<hbm>>
    tpu.wait_indirect_dma semaphore(%arg15 : memref<!tpu.dma_semaphore, #tpu.memory_space<semaphore_mem>>) src(%dma_wait3A_93 : memref<100000x128xf32, #tpu.memory_space<hbm>>) dst(%arg8 : memref<128x128xf32, #tpu.memory_space<vmem>>)
    %add3A_94 = arith.constant 256 : i32
    %add3A_95 = arith.addi %mul3A_2, %add3A_94 : i32
    %dma_start3A_96 = arith.constant 0 : i32
    %dma_start3A_97 = tpu.memref_slice %arg4[%add3A_95, %dma_start3A_96] : memref<40960x128xf32, #tpu.memory_space<hbm>> -> memref<128x128xf32, #tpu.memory_space<hbm>>
    %dma_start3A_98 = arith.constant 0 : i32
    %dma_start3A_99 = tpu.memref_slice %arg4[%add3A_95, %dma_start3A_98] : memref<40960x128xf32, #tpu.memory_space<hbm>> -> memref<128x128xf32, #tpu.memory_space<hbm>>
    tpu.enqueue_dma source(%arg8 : memref<128x128xf32, #tpu.memory_space<vmem>>) target(%dma_start3A_99 : memref<128x128xf32, #tpu.memory_space<hbm>>) target_semaphore(%arg22 : memref<!tpu.dma_semaphore, #tpu.memory_space<semaphore_mem>>)
    %dma_wait3A_100 = arith.constant 0 : i32
    %dma_wait3A_101 = tpu.memref_slice %arg4[%add3A_71, %dma_wait3A_100] : memref<40960x128xf32, #tpu.memory_space<hbm>> -> memref<128x128xf32, #tpu.memory_space<hbm>>
    %dma_wait3A_102 = arith.constant 0 : i32
    %dma_wait3A_103 = tpu.memref_slice %arg4[%add3A_71, %dma_wait3A_102] : memref<40960x128xf32, #tpu.memory_space<hbm>> -> memref<128x128xf32, #tpu.memory_space<hbm>>
    tpu.wait_dma2 semaphore(%arg21 : memref<!tpu.dma_semaphore, #tpu.memory_space<semaphore_mem>>) src(%arg7 : memref<128x128xf32, #tpu.memory_space<vmem>>) dst(%dma_wait3A_103 : memref<128x128xf32, #tpu.memory_space<hbm>>)
    %dma_start3A_104 = arith.constant 8 : i32
    %dma_start3A_105 = arith.constant 0 : i32
    %dma_start3A_106 = tpu.memref_slice %arg5[%dma_start3A_104, %dma_start3A_105] : memref<10x128xi32, #tpu.memory_space<vmem>> -> memref<1x128xi32, #tpu.memory_space<vmem>>
    %dma_start3A_107 = tpu.memref_squeeze %dma_start3A_106 : memref<1x128xi32, #tpu.memory_space<vmem>> -> memref<128xi32, #tpu.memory_space<vmem>>
    %dma_start3A_108 = arith.constant 0 : i32
    %dma_start3A_109 = arith.constant 0 : i32
    %dma_start3A_110 = tpu.memref_slice %arg2[%dma_start3A_108, %dma_start3A_109] : memref<100000x128xf32, #tpu.memory_space<hbm>> -> memref<100000x128xf32, #tpu.memory_space<hbm>>
    tpu.enqueue_indirect_dma source(%dma_start3A_110 : memref<100000x128xf32, #tpu.memory_space<hbm>>) target(%arg7 : memref<128x128xf32, #tpu.memory_space<vmem>>) offsets(%dma_start3A_107 : memref<128xi32, #tpu.memory_space<vmem>>) semaphore(%arg14 : memref<!tpu.dma_semaphore, #tpu.memory_space<semaphore_mem>>)
    %dma_wait3A_111 = arith.constant 3 : i32
    %dma_wait3A_112 = arith.constant 0 : i32
    %dma_wait3A_113 = tpu.memref_slice %arg5[%dma_wait3A_111, %dma_wait3A_112] : memref<10x128xi32, #tpu.memory_space<vmem>> -> memref<1x128xi32, #tpu.memory_space<vmem>>
    %dma_wait3A_114 = tpu.memref_squeeze %dma_wait3A_113 : memref<1x128xi32, #tpu.memory_space<vmem>> -> memref<128xi32, #tpu.memory_space<vmem>>
    %dma_wait3A_115 = arith.constant 0 : i32
    %dma_wait3A_116 = arith.constant 0 : i32
    %dma_wait3A_117 = tpu.memref_slice %arg2[%dma_wait3A_115, %dma_wait3A_116] : memref<100000x128xf32, #tpu.memory_space<hbm>> -> memref<100000x128xf32, #tpu.memory_space<hbm>>
    tpu.wait_indirect_dma semaphore(%arg16 : memref<!tpu.dma_semaphore, #tpu.memory_space<semaphore_mem>>) src(%dma_wait3A_117 : memref<100000x128xf32, #tpu.memory_space<hbm>>) dst(%arg9 : memref<128x128xf32, #tpu.memory_space<vmem>>)
    %add3A_118 = arith.constant 384 : i32
    %add3A_119 = arith.addi %mul3A_2, %add3A_118 : i32
    %dma_start3A_120 = arith.constant 0 : i32
    %dma_start3A_121 = tpu.memref_slice %arg4[%add3A_119, %dma_start3A_120] : memref<40960x128xf32, #tpu.memory_space<hbm>> -> memref<128x128xf32, #tpu.memory_space<hbm>>
    %dma_start3A_122 = arith.constant 0 : i32
    %dma_start3A_123 = tpu.memref_slice %arg4[%add3A_119, %dma_start3A_122] : memref<40960x128xf32, #tpu.memory_space<hbm>> -> memref<128x128xf32, #tpu.memory_space<hbm>>
    tpu.enqueue_dma source(%arg9 : memref<128x128xf32, #tpu.memory_space<vmem>>) target(%dma_start3A_123 : memref<128x128xf32, #tpu.memory_space<hbm>>) target_semaphore(%arg23 : memref<!tpu.dma_semaphore, #tpu.memory_space<semaphore_mem>>)
    %dma_wait3A_124 = arith.constant 0 : i32
    %dma_wait3A_125 = tpu.memref_slice %arg4[%add3A_95, %dma_wait3A_124] : memref<40960x128xf32, #tpu.memory_space<hbm>> -> memref<128x128xf32, #tpu.memory_space<hbm>>
    %dma_wait3A_126 = arith.constant 0 : i32
    %dma_wait3A_127 = tpu.memref_slice %arg4[%add3A_95, %dma_wait3A_126] : memref<40960x128xf32, #tpu.memory_space<hbm>> -> memref<128x128xf32, #tpu.memory_space<hbm>>
    tpu.wait_dma2 semaphore(%arg22 : memref<!tpu.dma_semaphore, #tpu.memory_space<semaphore_mem>>) src(%arg8 : memref<128x128xf32, #tpu.memory_space<vmem>>) dst(%dma_wait3A_127 : memref<128x128xf32, #tpu.memory_space<hbm>>)
    %dma_start3A_128 = arith.constant 9 : i32
    %dma_start3A_129 = arith.constant 0 : i32
    %dma_start3A_130 = tpu.memref_slice %arg5[%dma_start3A_128, %dma_start3A_129] : memref<10x128xi32, #tpu.memory_space<vmem>> -> memref<1x128xi32, #tpu.memory_space<vmem>>
    %dma_start3A_131 = tpu.memref_squeeze %dma_start3A_130 : memref<1x128xi32, #tpu.memory_space<vmem>> -> memref<128xi32, #tpu.memory_space<vmem>>
    %dma_start3A_132 = arith.constant 0 : i32
    %dma_start3A_133 = arith.constant 0 : i32
    %dma_start3A_134 = tpu.memref_slice %arg2[%dma_start3A_132, %dma_start3A_133] : memref<100000x128xf32, #tpu.memory_space<hbm>> -> memref<100000x128xf32, #tpu.memory_space<hbm>>
    tpu.enqueue_indirect_dma source(%dma_start3A_134 : memref<100000x128xf32, #tpu.memory_space<hbm>>) target(%arg8 : memref<128x128xf32, #tpu.memory_space<vmem>>) offsets(%dma_start3A_131 : memref<128xi32, #tpu.memory_space<vmem>>) semaphore(%arg15 : memref<!tpu.dma_semaphore, #tpu.memory_space<semaphore_mem>>)
    %dma_wait3A_135 = arith.constant 4 : i32
    %dma_wait3A_136 = arith.constant 0 : i32
    %dma_wait3A_137 = tpu.memref_slice %arg5[%dma_wait3A_135, %dma_wait3A_136] : memref<10x128xi32, #tpu.memory_space<vmem>> -> memref<1x128xi32, #tpu.memory_space<vmem>>
    %dma_wait3A_138 = tpu.memref_squeeze %dma_wait3A_137 : memref<1x128xi32, #tpu.memory_space<vmem>> -> memref<128xi32, #tpu.memory_space<vmem>>
    %dma_wait3A_139 = arith.constant 0 : i32
    %dma_wait3A_140 = arith.constant 0 : i32
    %dma_wait3A_141 = tpu.memref_slice %arg2[%dma_wait3A_139, %dma_wait3A_140] : memref<100000x128xf32, #tpu.memory_space<hbm>> -> memref<100000x128xf32, #tpu.memory_space<hbm>>
    tpu.wait_indirect_dma semaphore(%arg17 : memref<!tpu.dma_semaphore, #tpu.memory_space<semaphore_mem>>) src(%dma_wait3A_141 : memref<100000x128xf32, #tpu.memory_space<hbm>>) dst(%arg10 : memref<128x128xf32, #tpu.memory_space<vmem>>)
    %add3A_142 = arith.constant 512 : i32
    %add3A_143 = arith.addi %mul3A_2, %add3A_142 : i32
    %dma_start3A_144 = arith.constant 0 : i32
    %dma_start3A_145 = tpu.memref_slice %arg4[%add3A_143, %dma_start3A_144] : memref<40960x128xf32, #tpu.memory_space<hbm>> -> memref<128x128xf32, #tpu.memory_space<hbm>>
    %dma_start3A_146 = arith.constant 0 : i32
    %dma_start3A_147 = tpu.memref_slice %arg4[%add3A_143, %dma_start3A_146] : memref<40960x128xf32, #tpu.memory_space<hbm>> -> memref<128x128xf32, #tpu.memory_space<hbm>>
    tpu.enqueue_dma source(%arg10 : memref<128x128xf32, #tpu.memory_space<vmem>>) target(%dma_start3A_147 : memref<128x128xf32, #tpu.memory_space<hbm>>) target_semaphore(%arg24 : memref<!tpu.dma_semaphore, #tpu.memory_space<semaphore_mem>>)
    %dma_wait3A_148 = arith.constant 5 : i32
    %dma_wait3A_149 = arith.constant 0 : i32
    %dma_wait3A_150 = tpu.memref_slice %arg5[%dma_wait3A_148, %dma_wait3A_149] : memref<10x128xi32, #tpu.memory_space<vmem>> -> memref<1x128xi32, #tpu.memory_space<vmem>>
    %dma_wait3A_151 = tpu.memref_squeeze %dma_wait3A_150 : memref<1x128xi32, #tpu.memory_space<vmem>> -> memref<128xi32, #tpu.memory_space<vmem>>
    %dma_wait3A_152 = arith.constant 0 : i32
    %dma_wait3A_153 = arith.constant 0 : i32
    %dma_wait3A_154 = tpu.memref_slice %arg2[%dma_wait3A_152, %dma_wait3A_153] : memref<100000x128xf32, #tpu.memory_space<hbm>> -> memref<100000x128xf32, #tpu.memory_space<hbm>>
    tpu.wait_indirect_dma semaphore(%arg18 : memref<!tpu.dma_semaphore, #tpu.memory_space<semaphore_mem>>) src(%dma_wait3A_154 : memref<100000x128xf32, #tpu.memory_space<hbm>>) dst(%arg11 : memref<128x128xf32, #tpu.memory_space<vmem>>)
    %add3A_155 = arith.constant 640 : i32
    %add3A_156 = arith.addi %mul3A_2, %add3A_155 : i32
    %dma_start3A_157 = arith.constant 0 : i32
    %dma_start3A_158 = tpu.memref_slice %arg4[%add3A_156, %dma_start3A_157] : memref<40960x128xf32, #tpu.memory_space<hbm>> -> memref<128x128xf32, #tpu.memory_space<hbm>>
    %dma_start3A_159 = arith.constant 0 : i32
    %dma_start3A_160 = tpu.memref_slice %arg4[%add3A_156, %dma_start3A_159] : memref<40960x128xf32, #tpu.memory_space<hbm>> -> memref<128x128xf32, #tpu.memory_space<hbm>>
    tpu.enqueue_dma source(%arg11 : memref<128x128xf32, #tpu.memory_space<vmem>>) target(%dma_start3A_160 : memref<128x128xf32, #tpu.memory_space<hbm>>) target_semaphore(%arg25 : memref<!tpu.dma_semaphore, #tpu.memory_space<semaphore_mem>>)
    %dma_wait3A_161 = arith.constant 6 : i32
    %dma_wait3A_162 = arith.constant 0 : i32
    %dma_wait3A_163 = tpu.memref_slice %arg5[%dma_wait3A_161, %dma_wait3A_162] : memref<10x128xi32, #tpu.memory_space<vmem>> -> memref<1x128xi32, #tpu.memory_space<vmem>>
    %dma_wait3A_164 = tpu.memref_squeeze %dma_wait3A_163 : memref<1x128xi32, #tpu.memory_space<vmem>> -> memref<128xi32, #tpu.memory_space<vmem>>
    %dma_wait3A_165 = arith.constant 0 : i32
    %dma_wait3A_166 = arith.constant 0 : i32
    %dma_wait3A_167 = tpu.memref_slice %arg2[%dma_wait3A_165, %dma_wait3A_166] : memref<100000x128xf32, #tpu.memory_space<hbm>> -> memref<100000x128xf32, #tpu.memory_space<hbm>>
    tpu.wait_indirect_dma semaphore(%arg19 : memref<!tpu.dma_semaphore, #tpu.memory_space<semaphore_mem>>) src(%dma_wait3A_167 : memref<100000x128xf32, #tpu.memory_space<hbm>>) dst(%arg12 : memref<128x128xf32, #tpu.memory_space<vmem>>)
    %add3A_168 = arith.constant 768 : i32
    %add3A_169 = arith.addi %mul3A_2, %add3A_168 : i32
    %dma_start3A_170 = arith.constant 0 : i32
    %dma_start3A_171 = tpu.memref_slice %arg4[%add3A_169, %dma_start3A_170] : memref<40960x128xf32, #tpu.memory_space<hbm>> -> memref<128x128xf32, #tpu.memory_space<hbm>>
    %dma_start3A_172 = arith.constant 0 : i32
    %dma_start3A_173 = tpu.memref_slice %arg4[%add3A_169, %dma_start3A_172] : memref<40960x128xf32, #tpu.memory_space<hbm>> -> memref<128x128xf32, #tpu.memory_space<hbm>>
    tpu.enqueue_dma source(%arg12 : memref<128x128xf32, #tpu.memory_space<vmem>>) target(%dma_start3A_173 : memref<128x128xf32, #tpu.memory_space<hbm>>) target_semaphore(%arg26 : memref<!tpu.dma_semaphore, #tpu.memory_space<semaphore_mem>>)
    %dma_wait3A_174 = arith.constant 7 : i32
    %dma_wait3A_175 = arith.constant 0 : i32
    %dma_wait3A_176 = tpu.memref_slice %arg5[%dma_wait3A_174, %dma_wait3A_175] : memref<10x128xi32, #tpu.memory_space<vmem>> -> memref<1x128xi32, #tpu.memory_space<vmem>>
    %dma_wait3A_177 = tpu.memref_squeeze %dma_wait3A_176 : memref<1x128xi32, #tpu.memory_space<vmem>> -> memref<128xi32, #tpu.memory_space<vmem>>
    %dma_wait3A_178 = arith.constant 0 : i32
    %dma_wait3A_179 = arith.constant 0 : i32
    %dma_wait3A_180 = tpu.memref_slice %arg2[%dma_wait3A_178, %dma_wait3A_179] : memref<100000x128xf32, #tpu.memory_space<hbm>> -> memref<100000x128xf32, #tpu.memory_space<hbm>>
    tpu.wait_indirect_dma semaphore(%arg13 : memref<!tpu.dma_semaphore, #tpu.memory_space<semaphore_mem>>) src(%dma_wait3A_180 : memref<100000x128xf32, #tpu.memory_space<hbm>>) dst(%arg6 : memref<128x128xf32, #tpu.memory_space<vmem>>)
    %add3A_181 = arith.constant 896 : i32
    %add3A_182 = arith.addi %mul3A_2, %add3A_181 : i32
    %dma_start3A_183 = arith.constant 0 : i32
    %dma_start3A_184 = tpu.memref_slice %arg4[%add3A_182, %dma_start3A_183] : memref<40960x128xf32, #tpu.memory_space<hbm>> -> memref<128x128xf32, #tpu.memory_space<hbm>>
    %dma_start3A_185 = arith.constant 0 : i32
    %dma_start3A_186 = tpu.memref_slice %arg4[%add3A_182, %dma_start3A_185] : memref<40960x128xf32, #tpu.memory_space<hbm>> -> memref<128x128xf32, #tpu.memory_space<hbm>>
    tpu.enqueue_dma source(%arg6 : memref<128x128xf32, #tpu.memory_space<vmem>>) target(%dma_start3A_186 : memref<128x128xf32, #tpu.memory_space<hbm>>) target_semaphore(%arg20 : memref<!tpu.dma_semaphore, #tpu.memory_space<semaphore_mem>>)
    %dma_wait3A_187 = arith.constant 8 : i32
    %dma_wait3A_188 = arith.constant 0 : i32
    %dma_wait3A_189 = tpu.memref_slice %arg5[%dma_wait3A_187, %dma_wait3A_188] : memref<10x128xi32, #tpu.memory_space<vmem>> -> memref<1x128xi32, #tpu.memory_space<vmem>>
    %dma_wait3A_190 = tpu.memref_squeeze %dma_wait3A_189 : memref<1x128xi32, #tpu.memory_space<vmem>> -> memref<128xi32, #tpu.memory_space<vmem>>
    %dma_wait3A_191 = arith.constant 0 : i32
    %dma_wait3A_192 = arith.constant 0 : i32
    %dma_wait3A_193 = tpu.memref_slice %arg2[%dma_wait3A_191, %dma_wait3A_192] : memref<100000x128xf32, #tpu.memory_space<hbm>> -> memref<100000x128xf32, #tpu.memory_space<hbm>>
    tpu.wait_indirect_dma semaphore(%arg14 : memref<!tpu.dma_semaphore, #tpu.memory_space<semaphore_mem>>) src(%dma_wait3A_193 : memref<100000x128xf32, #tpu.memory_space<hbm>>) dst(%arg7 : memref<128x128xf32, #tpu.memory_space<vmem>>)
    %add3A_194 = arith.constant 1024 : i32
    %add3A_195 = arith.addi %mul3A_2, %add3A_194 : i32
    %dma_start3A_196 = arith.constant 0 : i32
    %dma_start3A_197 = tpu.memref_slice %arg4[%add3A_195, %dma_start3A_196] : memref<40960x128xf32, #tpu.memory_space<hbm>> -> memref<128x128xf32, #tpu.memory_space<hbm>>
    %dma_start3A_198 = arith.constant 0 : i32
    %dma_start3A_199 = tpu.memref_slice %arg4[%add3A_195, %dma_start3A_198] : memref<40960x128xf32, #tpu.memory_space<hbm>> -> memref<128x128xf32, #tpu.memory_space<hbm>>
    tpu.enqueue_dma source(%arg7 : memref<128x128xf32, #tpu.memory_space<vmem>>) target(%dma_start3A_199 : memref<128x128xf32, #tpu.memory_space<hbm>>) target_semaphore(%arg21 : memref<!tpu.dma_semaphore, #tpu.memory_space<semaphore_mem>>)
    %dma_wait3A_200 = arith.constant 9 : i32
    %dma_wait3A_201 = arith.constant 0 : i32
    %dma_wait3A_202 = tpu.memref_slice %arg5[%dma_wait3A_200, %dma_wait3A_201] : memref<10x128xi32, #tpu.memory_space<vmem>> -> memref<1x128xi32, #tpu.memory_space<vmem>>
    %dma_wait3A_203 = tpu.memref_squeeze %dma_wait3A_202 : memref<1x128xi32, #tpu.memory_space<vmem>> -> memref<128xi32, #tpu.memory_space<vmem>>
    %dma_wait3A_204 = arith.constant 0 : i32
    %dma_wait3A_205 = arith.constant 0 : i32
    %dma_wait3A_206 = tpu.memref_slice %arg2[%dma_wait3A_204, %dma_wait3A_205] : memref<100000x128xf32, #tpu.memory_space<hbm>> -> memref<100000x128xf32, #tpu.memory_space<hbm>>
    tpu.wait_indirect_dma semaphore(%arg15 : memref<!tpu.dma_semaphore, #tpu.memory_space<semaphore_mem>>) src(%dma_wait3A_206 : memref<100000x128xf32, #tpu.memory_space<hbm>>) dst(%arg8 : memref<128x128xf32, #tpu.memory_space<vmem>>)
    %add3A_207 = arith.constant 1152 : i32
    %add3A_208 = arith.addi %mul3A_2, %add3A_207 : i32
    %dma_start3A_209 = arith.constant 0 : i32
    %dma_start3A_210 = tpu.memref_slice %arg4[%add3A_208, %dma_start3A_209] : memref<40960x128xf32, #tpu.memory_space<hbm>> -> memref<128x128xf32, #tpu.memory_space<hbm>>
    %dma_start3A_211 = arith.constant 0 : i32
    %dma_start3A_212 = tpu.memref_slice %arg4[%add3A_208, %dma_start3A_211] : memref<40960x128xf32, #tpu.memory_space<hbm>> -> memref<128x128xf32, #tpu.memory_space<hbm>>
    tpu.enqueue_dma source(%arg8 : memref<128x128xf32, #tpu.memory_space<vmem>>) target(%dma_start3A_212 : memref<128x128xf32, #tpu.memory_space<hbm>>) target_semaphore(%arg22 : memref<!tpu.dma_semaphore, #tpu.memory_space<semaphore_mem>>)
    %dma_wait3A_213 = arith.constant 0 : i32
    %dma_wait3A_214 = tpu.memref_slice %arg4[%add3A_119, %dma_wait3A_213] : memref<40960x128xf32, #tpu.memory_space<hbm>> -> memref<128x128xf32, #tpu.memory_space<hbm>>
    %dma_wait3A_215 = arith.constant 0 : i32
    %dma_wait3A_216 = tpu.memref_slice %arg4[%add3A_119, %dma_wait3A_215] : memref<40960x128xf32, #tpu.memory_space<hbm>> -> memref<128x128xf32, #tpu.memory_space<hbm>>
    tpu.wait_dma2 semaphore(%arg23 : memref<!tpu.dma_semaphore, #tpu.memory_space<semaphore_mem>>) src(%arg9 : memref<128x128xf32, #tpu.memory_space<vmem>>) dst(%dma_wait3A_216 : memref<128x128xf32, #tpu.memory_space<hbm>>)
    %dma_wait3A_217 = arith.constant 0 : i32
    %dma_wait3A_218 = tpu.memref_slice %arg4[%add3A_143, %dma_wait3A_217] : memref<40960x128xf32, #tpu.memory_space<hbm>> -> memref<128x128xf32, #tpu.memory_space<hbm>>
    %dma_wait3A_219 = arith.constant 0 : i32
    %dma_wait3A_220 = tpu.memref_slice %arg4[%add3A_143, %dma_wait3A_219] : memref<40960x128xf32, #tpu.memory_space<hbm>> -> memref<128x128xf32, #tpu.memory_space<hbm>>
    tpu.wait_dma2 semaphore(%arg24 : memref<!tpu.dma_semaphore, #tpu.memory_space<semaphore_mem>>) src(%arg10 : memref<128x128xf32, #tpu.memory_space<vmem>>) dst(%dma_wait3A_220 : memref<128x128xf32, #tpu.memory_space<hbm>>)
    %dma_wait3A_221 = arith.constant 0 : i32
    %dma_wait3A_222 = tpu.memref_slice %arg4[%add3A_156, %dma_wait3A_221] : memref<40960x128xf32, #tpu.memory_space<hbm>> -> memref<128x128xf32, #tpu.memory_space<hbm>>
    %dma_wait3A_223 = arith.constant 0 : i32
    %dma_wait3A_224 = tpu.memref_slice %arg4[%add3A_156, %dma_wait3A_223] : memref<40960x128xf32, #tpu.memory_space<hbm>> -> memref<128x128xf32, #tpu.memory_space<hbm>>
    tpu.wait_dma2 semaphore(%arg25 : memref<!tpu.dma_semaphore, #tpu.memory_space<semaphore_mem>>) src(%arg11 : memref<128x128xf32, #tpu.memory_space<vmem>>) dst(%dma_wait3A_224 : memref<128x128xf32, #tpu.memory_space<hbm>>)
    %dma_wait3A_225 = arith.constant 0 : i32
    %dma_wait3A_226 = tpu.memref_slice %arg4[%add3A_169, %dma_wait3A_225] : memref<40960x128xf32, #tpu.memory_space<hbm>> -> memref<128x128xf32, #tpu.memory_space<hbm>>
    %dma_wait3A_227 = arith.constant 0 : i32
    %dma_wait3A_228 = tpu.memref_slice %arg4[%add3A_169, %dma_wait3A_227] : memref<40960x128xf32, #tpu.memory_space<hbm>> -> memref<128x128xf32, #tpu.memory_space<hbm>>
    tpu.wait_dma2 semaphore(%arg26 : memref<!tpu.dma_semaphore, #tpu.memory_space<semaphore_mem>>) src(%arg12 : memref<128x128xf32, #tpu.memory_space<vmem>>) dst(%dma_wait3A_228 : memref<128x128xf32, #tpu.memory_space<hbm>>)
    %dma_wait3A_229 = arith.constant 0 : i32
    %dma_wait3A_230 = tpu.memref_slice %arg4[%add3A_182, %dma_wait3A_229] : memref<40960x128xf32, #tpu.memory_space<hbm>> -> memref<128x128xf32, #tpu.memory_space<hbm>>
    %dma_wait3A_231 = arith.constant 0 : i32
    %dma_wait3A_232 = tpu.memref_slice %arg4[%add3A_182, %dma_wait3A_231] : memref<40960x128xf32, #tpu.memory_space<hbm>> -> memref<128x128xf32, #tpu.memory_space<hbm>>
    tpu.wait_dma2 semaphore(%arg20 : memref<!tpu.dma_semaphore, #tpu.memory_space<semaphore_mem>>) src(%arg6 : memref<128x128xf32, #tpu.memory_space<vmem>>) dst(%dma_wait3A_232 : memref<128x128xf32, #tpu.memory_space<hbm>>)
    %dma_wait3A_233 = arith.constant 0 : i32
    %dma_wait3A_234 = tpu.memref_slice %arg4[%add3A_195, %dma_wait3A_233] : memref<40960x128xf32, #tpu.memory_space<hbm>> -> memref<128x128xf32, #tpu.memory_space<hbm>>
    %dma_wait3A_235 = arith.constant 0 : i32
    %dma_wait3A_236 = tpu.memref_slice %arg4[%add3A_195, %dma_wait3A_235] : memref<40960x128xf32, #tpu.memory_space<hbm>> -> memref<128x128xf32, #tpu.memory_space<hbm>>
    tpu.wait_dma2 semaphore(%arg21 : memref<!tpu.dma_semaphore, #tpu.memory_space<semaphore_mem>>) src(%arg7 : memref<128x128xf32, #tpu.memory_space<vmem>>) dst(%dma_wait3A_236 : memref<128x128xf32, #tpu.memory_space<hbm>>)
    %dma_wait3A_237 = arith.constant 0 : i32
    %dma_wait3A_238 = tpu.memref_slice %arg4[%add3A_208, %dma_wait3A_237] : memref<40960x128xf32, #tpu.memory_space<hbm>> -> memref<128x128xf32, #tpu.memory_space<hbm>>
    %dma_wait3A_239 = arith.constant 0 : i32
    %dma_wait3A_240 = tpu.memref_slice %arg4[%add3A_208, %dma_wait3A_239] : memref<40960x128xf32, #tpu.memory_space<hbm>> -> memref<128x128xf32, #tpu.memory_space<hbm>>
    tpu.wait_dma2 semaphore(%arg22 : memref<!tpu.dma_semaphore, #tpu.memory_space<semaphore_mem>>) src(%arg8 : memref<128x128xf32, #tpu.memory_space<vmem>>) dst(%dma_wait3A_240 : memref<128x128xf32, #tpu.memory_space<hbm>>)
    return
  }
}

module attributes {stable_mosaic.version = 14 : i64} {
  func.func @_loss_body(%arg0: i32, %arg1: memref<10x2048x128xf32, #tpu.memory_space<vmem>>, %arg2: memref<128x128xf32, #tpu.memory_space<vmem>>, %arg3: memref<128x1xf32, #tpu.memory_space<vmem>>, %arg4: memref<1x1xf32, #tpu.memory_space<smem>>, %arg5: memref<1x1xf32, #tpu.memory_space<smem>>) attributes {dimension_semantics = [#tpu.dimension_semantics<arbitrary>], iteration_bounds = array<i64: 2>, scalar_prefetch = 0 : i64, scratch_operands = 1 : i64, tpu.core_type = #tpu.core_type<tc>, window_params = [{transform_indices = @transform_0, window_bounds = array<i64: 10, 2048, 128>}, {pipeline_mode = #tpu.pipeline_mode<synchronous>, transform_indices = @transform_1, window_bounds = array<i64: 128, 128>}, {pipeline_mode = #tpu.pipeline_mode<synchronous>, transform_indices = @transform_2, window_bounds = array<i64: 128, 1>}, {transform_indices = @transform_3, window_bounds = array<i64: 1, 1>}]} {
    %get3A = arith.constant 0 : index
    %get3A_0 = arith.constant 0 : index
    %get3A_1 = vector.load %arg2[%get3A, %get3A_0] : memref<128x128xf32, #tpu.memory_space<vmem>>, vector<128x128xf32>
    %get3A_2 = arith.constant 0 : index
    %get3A_3 = arith.constant 0 : index
    %get3A_4 = vector.load %arg3[%get3A_2, %get3A_3] : memref<128x1xf32, #tpu.memory_space<vmem>>, vector<128x1xf32>
    %get3A_5 = arith.constant 0 : index
    %get3A_6 = arith.constant 0 : index
    %get3A_7 = arith.constant 0 : index
    %get3A_8 = vector.load %arg1[%get3A_5, %get3A_6, %get3A_7] : memref<10x2048x128xf32, #tpu.memory_space<vmem>>, vector<1x2048x128xf32>
    %get3A_9 = vector.shape_cast %get3A_8 : vector<1x2048x128xf32> to vector<2048x128xf32>
    %transpose3A = tpu.transpose %get3A_9, [1, 0] : vector<2048x128xf32> -> vector<128x2048xf32>
    %tanh3A = math.tanh %transpose3A : vector<128x2048xf32>
    %dot_general3A = arith.constant dense<0.000000e+00> : vector<128x2048xf32>
    %dot_general3A_10 = tpu.matmul %get3A_1, %tanh3A, %dot_general3A {dimension_numbers = #tpu.dot_dimension_numbers<[1], [0], [0], [1], [0, 0, 1, 1], [], []>, transpose_lhs_hint = false} : vector<128x128xf32>, vector<128x2048xf32>, vector<128x2048xf32> -> vector<128x2048xf32>
    %add3A = vector.broadcast %get3A_4 : vector<128x1xf32> to vector<128x2048xf32>
    %add3A_11 = arith.addf %dot_general3A_10, %add3A : vector<128x2048xf32>
    %get3A_12 = arith.constant 1 : index
    %get3A_13 = arith.constant 0 : index
    %get3A_14 = arith.constant 0 : index
    %get3A_15 = vector.load %arg1[%get3A_12, %get3A_13, %get3A_14] : memref<10x2048x128xf32, #tpu.memory_space<vmem>>, vector<1x2048x128xf32>
    %get3A_16 = vector.shape_cast %get3A_15 : vector<1x2048x128xf32> to vector<2048x128xf32>
    %transpose3A_17 = tpu.transpose %get3A_16, [1, 0] : vector<2048x128xf32> -> vector<128x2048xf32>
    %tanh3A_18 = math.tanh %transpose3A_17 : vector<128x2048xf32>
    %dot_general3A_19 = arith.constant dense<0.000000e+00> : vector<128x2048xf32>
    %dot_general3A_20 = tpu.matmul %get3A_1, %tanh3A_18, %dot_general3A_19 {dimension_numbers = #tpu.dot_dimension_numbers<[1], [0], [0], [1], [0, 0, 1, 1], [], []>, transpose_lhs_hint = false} : vector<128x128xf32>, vector<128x2048xf32>, vector<128x2048xf32> -> vector<128x2048xf32>
    %add3A_21 = vector.broadcast %get3A_4 : vector<128x1xf32> to vector<128x2048xf32>
    %add3A_22 = arith.addf %dot_general3A_20, %add3A_21 : vector<128x2048xf32>
    %mul3A = arith.mulf %add3A_11, %add3A_22 : vector<128x2048xf32>
    %reduce_sum3A = arith.constant dense<0.000000e+00> : vector<2048xf32>
    %reduce_sum3A_23 = vector.multi_reduction <add>, %mul3A, %reduce_sum3A [0] : vector<128x2048xf32> to vector<2048xf32>
    %broadcast_in_dim3A = vector.shape_cast %reduce_sum3A_23 : vector<2048xf32> to vector<1x2048xf32>
    %get3A_24 = arith.constant 2 : index
    %get3A_25 = arith.constant 0 : index
    %get3A_26 = arith.constant 0 : index
    %get3A_27 = vector.load %arg1[%get3A_24, %get3A_25, %get3A_26] : memref<10x2048x128xf32, #tpu.memory_space<vmem>>, vector<1x2048x128xf32>
    %get3A_28 = vector.shape_cast %get3A_27 : vector<1x2048x128xf32> to vector<2048x128xf32>
    %transpose3A_29 = tpu.transpose %get3A_28, [1, 0] : vector<2048x128xf32> -> vector<128x2048xf32>
    %tanh3A_30 = math.tanh %transpose3A_29 : vector<128x2048xf32>
    %dot_general3A_31 = arith.constant dense<0.000000e+00> : vector<128x2048xf32>
    %dot_general3A_32 = tpu.matmul %get3A_1, %tanh3A_30, %dot_general3A_31 {dimension_numbers = #tpu.dot_dimension_numbers<[1], [0], [0], [1], [0, 0, 1, 1], [], []>, transpose_lhs_hint = false} : vector<128x128xf32>, vector<128x2048xf32>, vector<128x2048xf32> -> vector<128x2048xf32>
    %add3A_33 = vector.broadcast %get3A_4 : vector<128x1xf32> to vector<128x2048xf32>
    %add3A_34 = arith.addf %dot_general3A_32, %add3A_33 : vector<128x2048xf32>
    %mul3A_35 = arith.mulf %add3A_11, %add3A_34 : vector<128x2048xf32>
    %reduce_sum3A_36 = arith.constant dense<0.000000e+00> : vector<2048xf32>
    %reduce_sum3A_37 = vector.multi_reduction <add>, %mul3A_35, %reduce_sum3A_36 [0] : vector<128x2048xf32> to vector<2048xf32>
    %broadcast_in_dim3A_38 = vector.shape_cast %reduce_sum3A_37 : vector<2048xf32> to vector<1x2048xf32>
    %get3A_39 = arith.constant 3 : index
    %get3A_40 = arith.constant 0 : index
    %get3A_41 = arith.constant 0 : index
    %get3A_42 = vector.load %arg1[%get3A_39, %get3A_40, %get3A_41] : memref<10x2048x128xf32, #tpu.memory_space<vmem>>, vector<1x2048x128xf32>
    %get3A_43 = vector.shape_cast %get3A_42 : vector<1x2048x128xf32> to vector<2048x128xf32>
    %transpose3A_44 = tpu.transpose %get3A_43, [1, 0] : vector<2048x128xf32> -> vector<128x2048xf32>
    %tanh3A_45 = math.tanh %transpose3A_44 : vector<128x2048xf32>
    %dot_general3A_46 = arith.constant dense<0.000000e+00> : vector<128x2048xf32>
    %dot_general3A_47 = tpu.matmul %get3A_1, %tanh3A_45, %dot_general3A_46 {dimension_numbers = #tpu.dot_dimension_numbers<[1], [0], [0], [1], [0, 0, 1, 1], [], []>, transpose_lhs_hint = false} : vector<128x128xf32>, vector<128x2048xf32>, vector<128x2048xf32> -> vector<128x2048xf32>
    %add3A_48 = vector.broadcast %get3A_4 : vector<128x1xf32> to vector<128x2048xf32>
    %add3A_49 = arith.addf %dot_general3A_47, %add3A_48 : vector<128x2048xf32>
    %mul3A_50 = arith.mulf %add3A_11, %add3A_49 : vector<128x2048xf32>
    %reduce_sum3A_51 = arith.constant dense<0.000000e+00> : vector<2048xf32>
    %reduce_sum3A_52 = vector.multi_reduction <add>, %mul3A_50, %reduce_sum3A_51 [0] : vector<128x2048xf32> to vector<2048xf32>
    %broadcast_in_dim3A_53 = vector.shape_cast %reduce_sum3A_52 : vector<2048xf32> to vector<1x2048xf32>
    %get3A_54 = arith.constant 4 : index
    %get3A_55 = arith.constant 0 : index
    %get3A_56 = arith.constant 0 : index
    %get3A_57 = vector.load %arg1[%get3A_54, %get3A_55, %get3A_56] : memref<10x2048x128xf32, #tpu.memory_space<vmem>>, vector<1x2048x128xf32>
    %get3A_58 = vector.shape_cast %get3A_57 : vector<1x2048x128xf32> to vector<2048x128xf32>
    %transpose3A_59 = tpu.transpose %get3A_58, [1, 0] : vector<2048x128xf32> -> vector<128x2048xf32>
    %tanh3A_60 = math.tanh %transpose3A_59 : vector<128x2048xf32>
    %dot_general3A_61 = arith.constant dense<0.000000e+00> : vector<128x2048xf32>
    %dot_general3A_62 = tpu.matmul %get3A_1, %tanh3A_60, %dot_general3A_61 {dimension_numbers = #tpu.dot_dimension_numbers<[1], [0], [0], [1], [0, 0, 1, 1], [], []>, transpose_lhs_hint = false} : vector<128x128xf32>, vector<128x2048xf32>, vector<128x2048xf32> -> vector<128x2048xf32>
    %add3A_63 = vector.broadcast %get3A_4 : vector<128x1xf32> to vector<128x2048xf32>
    %add3A_64 = arith.addf %dot_general3A_62, %add3A_63 : vector<128x2048xf32>
    %mul3A_65 = arith.mulf %add3A_11, %add3A_64 : vector<128x2048xf32>
    %reduce_sum3A_66 = arith.constant dense<0.000000e+00> : vector<2048xf32>
    %reduce_sum3A_67 = vector.multi_reduction <add>, %mul3A_65, %reduce_sum3A_66 [0] : vector<128x2048xf32> to vector<2048xf32>
    %broadcast_in_dim3A_68 = vector.shape_cast %reduce_sum3A_67 : vector<2048xf32> to vector<1x2048xf32>
    %get3A_69 = arith.constant 5 : index
    %get3A_70 = arith.constant 0 : index
    %get3A_71 = arith.constant 0 : index
    %get3A_72 = vector.load %arg1[%get3A_69, %get3A_70, %get3A_71] : memref<10x2048x128xf32, #tpu.memory_space<vmem>>, vector<1x2048x128xf32>
    %get3A_73 = vector.shape_cast %get3A_72 : vector<1x2048x128xf32> to vector<2048x128xf32>
    %transpose3A_74 = tpu.transpose %get3A_73, [1, 0] : vector<2048x128xf32> -> vector<128x2048xf32>
    %tanh3A_75 = math.tanh %transpose3A_74 : vector<128x2048xf32>
    %dot_general3A_76 = arith.constant dense<0.000000e+00> : vector<128x2048xf32>
    %dot_general3A_77 = tpu.matmul %get3A_1, %tanh3A_75, %dot_general3A_76 {dimension_numbers = #tpu.dot_dimension_numbers<[1], [0], [0], [1], [0, 0, 1, 1], [], []>, transpose_lhs_hint = false} : vector<128x128xf32>, vector<128x2048xf32>, vector<128x2048xf32> -> vector<128x2048xf32>
    %add3A_78 = vector.broadcast %get3A_4 : vector<128x1xf32> to vector<128x2048xf32>
    %add3A_79 = arith.addf %dot_general3A_77, %add3A_78 : vector<128x2048xf32>
    %mul3A_80 = arith.mulf %add3A_11, %add3A_79 : vector<128x2048xf32>
    %reduce_sum3A_81 = arith.constant dense<0.000000e+00> : vector<2048xf32>
    %reduce_sum3A_82 = vector.multi_reduction <add>, %mul3A_80, %reduce_sum3A_81 [0] : vector<128x2048xf32> to vector<2048xf32>
    %broadcast_in_dim3A_83 = vector.shape_cast %reduce_sum3A_82 : vector<2048xf32> to vector<1x2048xf32>
    %get3A_84 = arith.constant 6 : index
    %get3A_85 = arith.constant 0 : index
    %get3A_86 = arith.constant 0 : index
    %get3A_87 = vector.load %arg1[%get3A_84, %get3A_85, %get3A_86] : memref<10x2048x128xf32, #tpu.memory_space<vmem>>, vector<1x2048x128xf32>
    %get3A_88 = vector.shape_cast %get3A_87 : vector<1x2048x128xf32> to vector<2048x128xf32>
    %transpose3A_89 = tpu.transpose %get3A_88, [1, 0] : vector<2048x128xf32> -> vector<128x2048xf32>
    %tanh3A_90 = math.tanh %transpose3A_89 : vector<128x2048xf32>
    %dot_general3A_91 = arith.constant dense<0.000000e+00> : vector<128x2048xf32>
    %dot_general3A_92 = tpu.matmul %get3A_1, %tanh3A_90, %dot_general3A_91 {dimension_numbers = #tpu.dot_dimension_numbers<[1], [0], [0], [1], [0, 0, 1, 1], [], []>, transpose_lhs_hint = false} : vector<128x128xf32>, vector<128x2048xf32>, vector<128x2048xf32> -> vector<128x2048xf32>
    %add3A_93 = vector.broadcast %get3A_4 : vector<128x1xf32> to vector<128x2048xf32>
    %add3A_94 = arith.addf %dot_general3A_92, %add3A_93 : vector<128x2048xf32>
    %mul3A_95 = arith.mulf %add3A_11, %add3A_94 : vector<128x2048xf32>
    %reduce_sum3A_96 = arith.constant dense<0.000000e+00> : vector<2048xf32>
    %reduce_sum3A_97 = vector.multi_reduction <add>, %mul3A_95, %reduce_sum3A_96 [0] : vector<128x2048xf32> to vector<2048xf32>
    %broadcast_in_dim3A_98 = vector.shape_cast %reduce_sum3A_97 : vector<2048xf32> to vector<1x2048xf32>
    %get3A_99 = arith.constant 7 : index
    %get3A_100 = arith.constant 0 : index
    %get3A_101 = arith.constant 0 : index
    %get3A_102 = vector.load %arg1[%get3A_99, %get3A_100, %get3A_101] : memref<10x2048x128xf32, #tpu.memory_space<vmem>>, vector<1x2048x128xf32>
    %get3A_103 = vector.shape_cast %get3A_102 : vector<1x2048x128xf32> to vector<2048x128xf32>
    %transpose3A_104 = tpu.transpose %get3A_103, [1, 0] : vector<2048x128xf32> -> vector<128x2048xf32>
    %tanh3A_105 = math.tanh %transpose3A_104 : vector<128x2048xf32>
    %dot_general3A_106 = arith.constant dense<0.000000e+00> : vector<128x2048xf32>
    %dot_general3A_107 = tpu.matmul %get3A_1, %tanh3A_105, %dot_general3A_106 {dimension_numbers = #tpu.dot_dimension_numbers<[1], [0], [0], [1], [0, 0, 1, 1], [], []>, transpose_lhs_hint = false} : vector<128x128xf32>, vector<128x2048xf32>, vector<128x2048xf32> -> vector<128x2048xf32>
    %add3A_108 = vector.broadcast %get3A_4 : vector<128x1xf32> to vector<128x2048xf32>
    %add3A_109 = arith.addf %dot_general3A_107, %add3A_108 : vector<128x2048xf32>
    %mul3A_110 = arith.mulf %add3A_11, %add3A_109 : vector<128x2048xf32>
    %reduce_sum3A_111 = arith.constant dense<0.000000e+00> : vector<2048xf32>
    %reduce_sum3A_112 = vector.multi_reduction <add>, %mul3A_110, %reduce_sum3A_111 [0] : vector<128x2048xf32> to vector<2048xf32>
    %broadcast_in_dim3A_113 = vector.shape_cast %reduce_sum3A_112 : vector<2048xf32> to vector<1x2048xf32>
    %get3A_114 = arith.constant 8 : index
    %get3A_115 = arith.constant 0 : index
    %get3A_116 = arith.constant 0 : index
    %get3A_117 = vector.load %arg1[%get3A_114, %get3A_115, %get3A_116] : memref<10x2048x128xf32, #tpu.memory_space<vmem>>, vector<1x2048x128xf32>
    %get3A_118 = vector.shape_cast %get3A_117 : vector<1x2048x128xf32> to vector<2048x128xf32>
    %transpose3A_119 = tpu.transpose %get3A_118, [1, 0] : vector<2048x128xf32> -> vector<128x2048xf32>
    %tanh3A_120 = math.tanh %transpose3A_119 : vector<128x2048xf32>
    %dot_general3A_121 = arith.constant dense<0.000000e+00> : vector<128x2048xf32>
    %dot_general3A_122 = tpu.matmul %get3A_1, %tanh3A_120, %dot_general3A_121 {dimension_numbers = #tpu.dot_dimension_numbers<[1], [0], [0], [1], [0, 0, 1, 1], [], []>, transpose_lhs_hint = false} : vector<128x128xf32>, vector<128x2048xf32>, vector<128x2048xf32> -> vector<128x2048xf32>
    %add3A_123 = vector.broadcast %get3A_4 : vector<128x1xf32> to vector<128x2048xf32>
    %add3A_124 = arith.addf %dot_general3A_122, %add3A_123 : vector<128x2048xf32>
    %mul3A_125 = arith.mulf %add3A_11, %add3A_124 : vector<128x2048xf32>
    %reduce_sum3A_126 = arith.constant dense<0.000000e+00> : vector<2048xf32>
    %reduce_sum3A_127 = vector.multi_reduction <add>, %mul3A_125, %reduce_sum3A_126 [0] : vector<128x2048xf32> to vector<2048xf32>
    %broadcast_in_dim3A_128 = vector.shape_cast %reduce_sum3A_127 : vector<2048xf32> to vector<1x2048xf32>
    %get3A_129 = arith.constant 9 : index
    %get3A_130 = arith.constant 0 : index
    %get3A_131 = arith.constant 0 : index
    %get3A_132 = vector.load %arg1[%get3A_129, %get3A_130, %get3A_131] : memref<10x2048x128xf32, #tpu.memory_space<vmem>>, vector<1x2048x128xf32>
    %get3A_133 = vector.shape_cast %get3A_132 : vector<1x2048x128xf32> to vector<2048x128xf32>
    %transpose3A_134 = tpu.transpose %get3A_133, [1, 0] : vector<2048x128xf32> -> vector<128x2048xf32>
    %tanh3A_135 = math.tanh %transpose3A_134 : vector<128x2048xf32>
    %dot_general3A_136 = arith.constant dense<0.000000e+00> : vector<128x2048xf32>
    %dot_general3A_137 = tpu.matmul %get3A_1, %tanh3A_135, %dot_general3A_136 {dimension_numbers = #tpu.dot_dimension_numbers<[1], [0], [0], [1], [0, 0, 1, 1], [], []>, transpose_lhs_hint = false} : vector<128x128xf32>, vector<128x2048xf32>, vector<128x2048xf32> -> vector<128x2048xf32>
    %add3A_138 = vector.broadcast %get3A_4 : vector<128x1xf32> to vector<128x2048xf32>
    %add3A_139 = arith.addf %dot_general3A_137, %add3A_138 : vector<128x2048xf32>
    %mul3A_140 = arith.mulf %add3A_11, %add3A_139 : vector<128x2048xf32>
    %reduce_sum3A_141 = arith.constant dense<0.000000e+00> : vector<2048xf32>
    %reduce_sum3A_142 = vector.multi_reduction <add>, %mul3A_140, %reduce_sum3A_141 [0] : vector<128x2048xf32> to vector<2048xf32>
    %broadcast_in_dim3A_143 = vector.shape_cast %reduce_sum3A_142 : vector<2048xf32> to vector<1x2048xf32>
    %concatenate3A = tpu.concatenate %broadcast_in_dim3A, %broadcast_in_dim3A_38, %broadcast_in_dim3A_53, %broadcast_in_dim3A_68, %broadcast_in_dim3A_83, %broadcast_in_dim3A_98, %broadcast_in_dim3A_113, %broadcast_in_dim3A_128, %broadcast_in_dim3A_143 in 0 : vector<1x2048xf32>, vector<1x2048xf32>, vector<1x2048xf32>, vector<1x2048xf32>, vector<1x2048xf32>, vector<1x2048xf32>, vector<1x2048xf32>, vector<1x2048xf32>, vector<1x2048xf32> -> vector<9x2048xf32>
    %mul3A_144 = arith.constant -1.000000e+00 : f32
    %mul3A_145 = vector.broadcast %mul3A_144 : f32 to vector<9x2048xf32>
    %mul3A_146 = arith.mulf %mul3A_145, %concatenate3A : vector<9x2048xf32>
    %exp3A = math.exp %mul3A_146 : vector<9x2048xf32>
    %add3A_147 = arith.constant 1.000000e+00 : f32
    %add3A_148 = vector.broadcast %add3A_147 : f32 to vector<9x2048xf32>
    %add3A_149 = arith.addf %add3A_148, %exp3A : vector<9x2048xf32>
    %div3A = arith.constant 1.000000e+00 : f32
    %div3A_150 = vector.broadcast %div3A : f32 to vector<9x2048xf32>
    %div3A_151 = arith.divf %div3A_150, %add3A_149 : vector<9x2048xf32>
    %add3A_152 = arith.constant 1.000000e-15 : f32
    %add3A_153 = vector.broadcast %add3A_152 : f32 to vector<9x2048xf32>
    %add3A_154 = arith.addf %div3A_151, %add3A_153 : vector<9x2048xf32>
    %log3A = math.log %add3A_154 : vector<9x2048xf32>
    %neg3A = arith.constant 0.000000e+00 : f32
    %neg3A_155 = vector.broadcast %neg3A : f32 to vector<9x2048xf32>
    %neg3A_156 = arith.subf %neg3A_155, %log3A : vector<9x2048xf32>
    %reduce_sum3A_157 = vector.shape_cast %neg3A_156 : vector<9x2048xf32> to vector<1x9x2048xf32>
    %reduce_sum3A_158 = arith.constant dense<0.000000e+00> : vector<1xf32>
    %reduce_sum3A_159 = vector.multi_reduction <add>, %reduce_sum3A_157, %reduce_sum3A_158 [1, 2] : vector<1x9x2048xf32> to vector<1xf32>
    %reduce_sum3A_160 = vector.shape_cast %reduce_sum3A_159 : vector<1xf32> to vector<1x1x1xf32>
    %reduce_sum3A_161 = vector.extract %reduce_sum3A_160[0, 0, 0] : f32 from vector<1x1x1xf32>
    %eq3A = arith.constant 0 : i32
    %eq3A_162 = arith.cmpi eq, %arg0, %eq3A : i32
    %convert_element_type3A = arith.extui %eq3A_162 : i1 to i32
    %cond3A = arith.constant 0 : i32
    %cond3A_163 = arith.cmpi ne, %convert_element_type3A, %cond3A : i32
    scf.if %cond3A_163 {
      %swap3A_175 = arith.constant 0.000000e+00 : f32
      %swap3A_176 = arith.constant 0 : index
      %swap3A_177 = arith.constant 0 : index
      %swap3A_178 = memref.load %arg5[%swap3A_176, %swap3A_177] : memref<1x1xf32, #tpu.memory_space<smem>>
      memref.store %swap3A_175, %arg5[%swap3A_176, %swap3A_177] : memref<1x1xf32, #tpu.memory_space<smem>>
    } else {
    }
    %get3A_164 = arith.constant 0 : index
    %get3A_165 = arith.constant 0 : index
    %get3A_166 = memref.load %arg5[%get3A_164, %get3A_165] : memref<1x1xf32, #tpu.memory_space<smem>>
    %add3A_167 = arith.addf %get3A_166, %reduce_sum3A_161 : f32
    %swap3A = arith.constant 0 : index
    %swap3A_168 = arith.constant 0 : index
    %swap3A_169 = memref.load %arg5[%swap3A, %swap3A_168] : memref<1x1xf32, #tpu.memory_space<smem>>
    memref.store %add3A_167, %arg5[%swap3A, %swap3A_168] : memref<1x1xf32, #tpu.memory_space<smem>>
    %eq3A_170 = arith.constant 1 : i32
    %eq3A_171 = arith.cmpi eq, %arg0, %eq3A_170 : i32
    %convert_element_type3A_172 = arith.extui %eq3A_171 : i1 to i32
    %cond3A_173 = arith.constant 0 : i32
    %cond3A_174 = arith.cmpi ne, %convert_element_type3A_172, %cond3A_173 : i32
    scf.if %cond3A_174 {
      %get3A_175 = arith.constant 0 : index
      %get3A_176 = arith.constant 0 : index
      %get3A_177 = memref.load %arg5[%get3A_175, %get3A_176] : memref<1x1xf32, #tpu.memory_space<smem>>
      %swap3A_178 = arith.constant 0 : index
      %swap3A_179 = arith.constant 0 : index
      %swap3A_180 = memref.load %arg4[%swap3A_178, %swap3A_179] : memref<1x1xf32, #tpu.memory_space<smem>>
      memref.store %get3A_177, %arg4[%swap3A_178, %swap3A_179] : memref<1x1xf32, #tpu.memory_space<smem>>
    } else {
    }
    return
  }
  func.func @transform_0(%arg0: i32) -> (i32, i32, i32) {
    %c0_i32 = arith.constant 0 : i32
    %c0_i32_0 = arith.constant 0 : i32
    %c0_i32_1 = arith.constant 0 : i32
    return %c0_i32, %arg0, %c0_i32_0 : i32, i32, i32
  }
  func.func @transform_1(%arg0: i32) -> (i32, i32) {
    %c0_i32 = arith.constant 0 : i32
    %c0_i32_0 = arith.constant 0 : i32
    %c0_i32_1 = arith.constant 0 : i32
    return %c0_i32, %c0_i32_0 : i32, i32
  }
  func.func @transform_2(%arg0: i32) -> (i32, i32) {
    %c0_i32 = arith.constant 0 : i32
    %c0_i32_0 = arith.constant 0 : i32
    %c0_i32_1 = arith.constant 0 : i32
    return %c0_i32, %c0_i32_0 : i32, i32
  }
  func.func @transform_3(%arg0: i32) -> (i32, i32) {
    %c0_i32 = arith.constant 0 : i32
    %c0_i32_0 = arith.constant 0 : i32
    %c0_i32_1 = arith.constant 0 : i32
    return %c0_i32, %c0_i32_0 : i32, i32
  }
}

module attributes {stable_mosaic.version = 14 : i64} {
  func.func @_loss_body(%arg0: i32, %arg1: memref<10x2048x128xf32, #tpu.memory_space<vmem>>, %arg2: memref<128x128xf32, #tpu.memory_space<vmem>>, %arg3: memref<128x1xf32, #tpu.memory_space<vmem>>, %arg4: memref<1x1xf32, #tpu.memory_space<smem>>, %arg5: memref<1x1xf32, #tpu.memory_space<smem>>) attributes {dimension_semantics = [#tpu.dimension_semantics<arbitrary>], iteration_bounds = array<i64: 2>, scalar_prefetch = 0 : i64, scratch_operands = 1 : i64, tpu.core_type = #tpu.core_type<tc>, window_params = [{transform_indices = @transform_0, window_bounds = array<i64: 10, 2048, 128>}, {pipeline_mode = #tpu.pipeline_mode<synchronous>, transform_indices = @transform_1, window_bounds = array<i64: 128, 128>}, {pipeline_mode = #tpu.pipeline_mode<synchronous>, transform_indices = @transform_2, window_bounds = array<i64: 128, 1>}, {transform_indices = @transform_3, window_bounds = array<i64: 1, 1>}]} {
    %get3A = arith.constant 0 : index
    %get3A_0 = arith.constant 0 : index
    %get3A_1 = vector.load %arg2[%get3A, %get3A_0] : memref<128x128xf32, #tpu.memory_space<vmem>>, vector<128x128xf32>
    %get3A_2 = arith.constant 0 : index
    %get3A_3 = arith.constant 0 : index
    %get3A_4 = vector.load %arg3[%get3A_2, %get3A_3] : memref<128x1xf32, #tpu.memory_space<vmem>>, vector<128x1xf32>
    %get3A_5 = arith.constant 0 : index
    %get3A_6 = arith.constant 0 : index
    %get3A_7 = arith.constant 0 : index
    %get3A_8 = vector.load %arg1[%get3A_5, %get3A_6, %get3A_7] : memref<10x2048x128xf32, #tpu.memory_space<vmem>>, vector<1x2048x128xf32>
    %get3A_9 = vector.shape_cast %get3A_8 : vector<1x2048x128xf32> to vector<2048x128xf32>
    %transpose3A = tpu.transpose %get3A_9, [1, 0] : vector<2048x128xf32> -> vector<128x2048xf32>
    %tanh3A = math.tanh %transpose3A : vector<128x2048xf32>
    %dot_general3A = arith.constant dense<0.000000e+00> : vector<128x2048xf32>
    %dot_general3A_10 = tpu.matmul %get3A_1, %tanh3A, %dot_general3A {dimension_numbers = #tpu.dot_dimension_numbers<[1], [0], [0], [1], [0, 0, 1, 1], [], []>, transpose_lhs_hint = false} : vector<128x128xf32>, vector<128x2048xf32>, vector<128x2048xf32> -> vector<128x2048xf32>
    %add3A = vector.broadcast %get3A_4 : vector<128x1xf32> to vector<128x2048xf32>
    %add3A_11 = arith.addf %dot_general3A_10, %add3A : vector<128x2048xf32>
    %get3A_12 = arith.constant 1 : index
    %get3A_13 = arith.constant 0 : index
    %get3A_14 = arith.constant 0 : index
    %get3A_15 = vector.load %arg1[%get3A_12, %get3A_13, %get3A_14] : memref<10x2048x128xf32, #tpu.memory_space<vmem>>, vector<1x2048x128xf32>
    %get3A_16 = vector.shape_cast %get3A_15 : vector<1x2048x128xf32> to vector<2048x128xf32>
    %transpose3A_17 = tpu.transpose %get3A_16, [1, 0] : vector<2048x128xf32> -> vector<128x2048xf32>
    %tanh3A_18 = math.tanh %transpose3A_17 : vector<128x2048xf32>
    %dot_general3A_19 = arith.constant dense<0.000000e+00> : vector<128x2048xf32>
    %dot_general3A_20 = tpu.matmul %get3A_1, %tanh3A_18, %dot_general3A_19 {dimension_numbers = #tpu.dot_dimension_numbers<[1], [0], [0], [1], [0, 0, 1, 1], [], []>, transpose_lhs_hint = false} : vector<128x128xf32>, vector<128x2048xf32>, vector<128x2048xf32> -> vector<128x2048xf32>
    %add3A_21 = vector.broadcast %get3A_4 : vector<128x1xf32> to vector<128x2048xf32>
    %add3A_22 = arith.addf %dot_general3A_20, %add3A_21 : vector<128x2048xf32>
    %mul3A = arith.mulf %add3A_11, %add3A_22 : vector<128x2048xf32>
    %reduce_sum3A = arith.constant dense<0.000000e+00> : vector<2048xf32>
    %reduce_sum3A_23 = vector.multi_reduction <add>, %mul3A, %reduce_sum3A [0] : vector<128x2048xf32> to vector<2048xf32>
    %broadcast_in_dim3A = vector.shape_cast %reduce_sum3A_23 : vector<2048xf32> to vector<1x2048xf32>
    %get3A_24 = arith.constant 2 : index
    %get3A_25 = arith.constant 0 : index
    %get3A_26 = arith.constant 0 : index
    %get3A_27 = vector.load %arg1[%get3A_24, %get3A_25, %get3A_26] : memref<10x2048x128xf32, #tpu.memory_space<vmem>>, vector<1x2048x128xf32>
    %get3A_28 = vector.shape_cast %get3A_27 : vector<1x2048x128xf32> to vector<2048x128xf32>
    %transpose3A_29 = tpu.transpose %get3A_28, [1, 0] : vector<2048x128xf32> -> vector<128x2048xf32>
    %tanh3A_30 = math.tanh %transpose3A_29 : vector<128x2048xf32>
    %dot_general3A_31 = arith.constant dense<0.000000e+00> : vector<128x2048xf32>
    %dot_general3A_32 = tpu.matmul %get3A_1, %tanh3A_30, %dot_general3A_31 {dimension_numbers = #tpu.dot_dimension_numbers<[1], [0], [0], [1], [0, 0, 1, 1], [], []>, transpose_lhs_hint = false} : vector<128x128xf32>, vector<128x2048xf32>, vector<128x2048xf32> -> vector<128x2048xf32>
    %add3A_33 = vector.broadcast %get3A_4 : vector<128x1xf32> to vector<128x2048xf32>
    %add3A_34 = arith.addf %dot_general3A_32, %add3A_33 : vector<128x2048xf32>
    %mul3A_35 = arith.mulf %add3A_11, %add3A_34 : vector<128x2048xf32>
    %reduce_sum3A_36 = arith.constant dense<0.000000e+00> : vector<2048xf32>
    %reduce_sum3A_37 = vector.multi_reduction <add>, %mul3A_35, %reduce_sum3A_36 [0] : vector<128x2048xf32> to vector<2048xf32>
    %broadcast_in_dim3A_38 = vector.shape_cast %reduce_sum3A_37 : vector<2048xf32> to vector<1x2048xf32>
    %get3A_39 = arith.constant 3 : index
    %get3A_40 = arith.constant 0 : index
    %get3A_41 = arith.constant 0 : index
    %get3A_42 = vector.load %arg1[%get3A_39, %get3A_40, %get3A_41] : memref<10x2048x128xf32, #tpu.memory_space<vmem>>, vector<1x2048x128xf32>
    %get3A_43 = vector.shape_cast %get3A_42 : vector<1x2048x128xf32> to vector<2048x128xf32>
    %transpose3A_44 = tpu.transpose %get3A_43, [1, 0] : vector<2048x128xf32> -> vector<128x2048xf32>
    %tanh3A_45 = math.tanh %transpose3A_44 : vector<128x2048xf32>
    %dot_general3A_46 = arith.constant dense<0.000000e+00> : vector<128x2048xf32>
    %dot_general3A_47 = tpu.matmul %get3A_1, %tanh3A_45, %dot_general3A_46 {dimension_numbers = #tpu.dot_dimension_numbers<[1], [0], [0], [1], [0, 0, 1, 1], [], []>, transpose_lhs_hint = false} : vector<128x128xf32>, vector<128x2048xf32>, vector<128x2048xf32> -> vector<128x2048xf32>
    %add3A_48 = vector.broadcast %get3A_4 : vector<128x1xf32> to vector<128x2048xf32>
    %add3A_49 = arith.addf %dot_general3A_47, %add3A_48 : vector<128x2048xf32>
    %mul3A_50 = arith.mulf %add3A_11, %add3A_49 : vector<128x2048xf32>
    %reduce_sum3A_51 = arith.constant dense<0.000000e+00> : vector<2048xf32>
    %reduce_sum3A_52 = vector.multi_reduction <add>, %mul3A_50, %reduce_sum3A_51 [0] : vector<128x2048xf32> to vector<2048xf32>
    %broadcast_in_dim3A_53 = vector.shape_cast %reduce_sum3A_52 : vector<2048xf32> to vector<1x2048xf32>
    %get3A_54 = arith.constant 4 : index
    %get3A_55 = arith.constant 0 : index
    %get3A_56 = arith.constant 0 : index
    %get3A_57 = vector.load %arg1[%get3A_54, %get3A_55, %get3A_56] : memref<10x2048x128xf32, #tpu.memory_space<vmem>>, vector<1x2048x128xf32>
    %get3A_58 = vector.shape_cast %get3A_57 : vector<1x2048x128xf32> to vector<2048x128xf32>
    %transpose3A_59 = tpu.transpose %get3A_58, [1, 0] : vector<2048x128xf32> -> vector<128x2048xf32>
    %tanh3A_60 = math.tanh %transpose3A_59 : vector<128x2048xf32>
    %dot_general3A_61 = arith.constant dense<0.000000e+00> : vector<128x2048xf32>
    %dot_general3A_62 = tpu.matmul %get3A_1, %tanh3A_60, %dot_general3A_61 {dimension_numbers = #tpu.dot_dimension_numbers<[1], [0], [0], [1], [0, 0, 1, 1], [], []>, transpose_lhs_hint = false} : vector<128x128xf32>, vector<128x2048xf32>, vector<128x2048xf32> -> vector<128x2048xf32>
    %add3A_63 = vector.broadcast %get3A_4 : vector<128x1xf32> to vector<128x2048xf32>
    %add3A_64 = arith.addf %dot_general3A_62, %add3A_63 : vector<128x2048xf32>
    %mul3A_65 = arith.mulf %add3A_11, %add3A_64 : vector<128x2048xf32>
    %reduce_sum3A_66 = arith.constant dense<0.000000e+00> : vector<2048xf32>
    %reduce_sum3A_67 = vector.multi_reduction <add>, %mul3A_65, %reduce_sum3A_66 [0] : vector<128x2048xf32> to vector<2048xf32>
    %broadcast_in_dim3A_68 = vector.shape_cast %reduce_sum3A_67 : vector<2048xf32> to vector<1x2048xf32>
    %get3A_69 = arith.constant 5 : index
    %get3A_70 = arith.constant 0 : index
    %get3A_71 = arith.constant 0 : index
    %get3A_72 = vector.load %arg1[%get3A_69, %get3A_70, %get3A_71] : memref<10x2048x128xf32, #tpu.memory_space<vmem>>, vector<1x2048x128xf32>
    %get3A_73 = vector.shape_cast %get3A_72 : vector<1x2048x128xf32> to vector<2048x128xf32>
    %transpose3A_74 = tpu.transpose %get3A_73, [1, 0] : vector<2048x128xf32> -> vector<128x2048xf32>
    %tanh3A_75 = math.tanh %transpose3A_74 : vector<128x2048xf32>
    %dot_general3A_76 = arith.constant dense<0.000000e+00> : vector<128x2048xf32>
    %dot_general3A_77 = tpu.matmul %get3A_1, %tanh3A_75, %dot_general3A_76 {dimension_numbers = #tpu.dot_dimension_numbers<[1], [0], [0], [1], [0, 0, 1, 1], [], []>, transpose_lhs_hint = false} : vector<128x128xf32>, vector<128x2048xf32>, vector<128x2048xf32> -> vector<128x2048xf32>
    %add3A_78 = vector.broadcast %get3A_4 : vector<128x1xf32> to vector<128x2048xf32>
    %add3A_79 = arith.addf %dot_general3A_77, %add3A_78 : vector<128x2048xf32>
    %mul3A_80 = arith.mulf %add3A_11, %add3A_79 : vector<128x2048xf32>
    %reduce_sum3A_81 = arith.constant dense<0.000000e+00> : vector<2048xf32>
    %reduce_sum3A_82 = vector.multi_reduction <add>, %mul3A_80, %reduce_sum3A_81 [0] : vector<128x2048xf32> to vector<2048xf32>
    %broadcast_in_dim3A_83 = vector.shape_cast %reduce_sum3A_82 : vector<2048xf32> to vector<1x2048xf32>
    %get3A_84 = arith.constant 6 : index
    %get3A_85 = arith.constant 0 : index
    %get3A_86 = arith.constant 0 : index
    %get3A_87 = vector.load %arg1[%get3A_84, %get3A_85, %get3A_86] : memref<10x2048x128xf32, #tpu.memory_space<vmem>>, vector<1x2048x128xf32>
    %get3A_88 = vector.shape_cast %get3A_87 : vector<1x2048x128xf32> to vector<2048x128xf32>
    %transpose3A_89 = tpu.transpose %get3A_88, [1, 0] : vector<2048x128xf32> -> vector<128x2048xf32>
    %tanh3A_90 = math.tanh %transpose3A_89 : vector<128x2048xf32>
    %dot_general3A_91 = arith.constant dense<0.000000e+00> : vector<128x2048xf32>
    %dot_general3A_92 = tpu.matmul %get3A_1, %tanh3A_90, %dot_general3A_91 {dimension_numbers = #tpu.dot_dimension_numbers<[1], [0], [0], [1], [0, 0, 1, 1], [], []>, transpose_lhs_hint = false} : vector<128x128xf32>, vector<128x2048xf32>, vector<128x2048xf32> -> vector<128x2048xf32>
    %add3A_93 = vector.broadcast %get3A_4 : vector<128x1xf32> to vector<128x2048xf32>
    %add3A_94 = arith.addf %dot_general3A_92, %add3A_93 : vector<128x2048xf32>
    %mul3A_95 = arith.mulf %add3A_11, %add3A_94 : vector<128x2048xf32>
    %reduce_sum3A_96 = arith.constant dense<0.000000e+00> : vector<2048xf32>
    %reduce_sum3A_97 = vector.multi_reduction <add>, %mul3A_95, %reduce_sum3A_96 [0] : vector<128x2048xf32> to vector<2048xf32>
    %broadcast_in_dim3A_98 = vector.shape_cast %reduce_sum3A_97 : vector<2048xf32> to vector<1x2048xf32>
    %get3A_99 = arith.constant 7 : index
    %get3A_100 = arith.constant 0 : index
    %get3A_101 = arith.constant 0 : index
    %get3A_102 = vector.load %arg1[%get3A_99, %get3A_100, %get3A_101] : memref<10x2048x128xf32, #tpu.memory_space<vmem>>, vector<1x2048x128xf32>
    %get3A_103 = vector.shape_cast %get3A_102 : vector<1x2048x128xf32> to vector<2048x128xf32>
    %transpose3A_104 = tpu.transpose %get3A_103, [1, 0] : vector<2048x128xf32> -> vector<128x2048xf32>
    %tanh3A_105 = math.tanh %transpose3A_104 : vector<128x2048xf32>
    %dot_general3A_106 = arith.constant dense<0.000000e+00> : vector<128x2048xf32>
    %dot_general3A_107 = tpu.matmul %get3A_1, %tanh3A_105, %dot_general3A_106 {dimension_numbers = #tpu.dot_dimension_numbers<[1], [0], [0], [1], [0, 0, 1, 1], [], []>, transpose_lhs_hint = false} : vector<128x128xf32>, vector<128x2048xf32>, vector<128x2048xf32> -> vector<128x2048xf32>
    %add3A_108 = vector.broadcast %get3A_4 : vector<128x1xf32> to vector<128x2048xf32>
    %add3A_109 = arith.addf %dot_general3A_107, %add3A_108 : vector<128x2048xf32>
    %mul3A_110 = arith.mulf %add3A_11, %add3A_109 : vector<128x2048xf32>
    %reduce_sum3A_111 = arith.constant dense<0.000000e+00> : vector<2048xf32>
    %reduce_sum3A_112 = vector.multi_reduction <add>, %mul3A_110, %reduce_sum3A_111 [0] : vector<128x2048xf32> to vector<2048xf32>
    %broadcast_in_dim3A_113 = vector.shape_cast %reduce_sum3A_112 : vector<2048xf32> to vector<1x2048xf32>
    %get3A_114 = arith.constant 8 : index
    %get3A_115 = arith.constant 0 : index
    %get3A_116 = arith.constant 0 : index
    %get3A_117 = vector.load %arg1[%get3A_114, %get3A_115, %get3A_116] : memref<10x2048x128xf32, #tpu.memory_space<vmem>>, vector<1x2048x128xf32>
    %get3A_118 = vector.shape_cast %get3A_117 : vector<1x2048x128xf32> to vector<2048x128xf32>
    %transpose3A_119 = tpu.transpose %get3A_118, [1, 0] : vector<2048x128xf32> -> vector<128x2048xf32>
    %tanh3A_120 = math.tanh %transpose3A_119 : vector<128x2048xf32>
    %dot_general3A_121 = arith.constant dense<0.000000e+00> : vector<128x2048xf32>
    %dot_general3A_122 = tpu.matmul %get3A_1, %tanh3A_120, %dot_general3A_121 {dimension_numbers = #tpu.dot_dimension_numbers<[1], [0], [0], [1], [0, 0, 1, 1], [], []>, transpose_lhs_hint = false} : vector<128x128xf32>, vector<128x2048xf32>, vector<128x2048xf32> -> vector<128x2048xf32>
    %add3A_123 = vector.broadcast %get3A_4 : vector<128x1xf32> to vector<128x2048xf32>
    %add3A_124 = arith.addf %dot_general3A_122, %add3A_123 : vector<128x2048xf32>
    %mul3A_125 = arith.mulf %add3A_11, %add3A_124 : vector<128x2048xf32>
    %reduce_sum3A_126 = arith.constant dense<0.000000e+00> : vector<2048xf32>
    %reduce_sum3A_127 = vector.multi_reduction <add>, %mul3A_125, %reduce_sum3A_126 [0] : vector<128x2048xf32> to vector<2048xf32>
    %broadcast_in_dim3A_128 = vector.shape_cast %reduce_sum3A_127 : vector<2048xf32> to vector<1x2048xf32>
    %get3A_129 = arith.constant 9 : index
    %get3A_130 = arith.constant 0 : index
    %get3A_131 = arith.constant 0 : index
    %get3A_132 = vector.load %arg1[%get3A_129, %get3A_130, %get3A_131] : memref<10x2048x128xf32, #tpu.memory_space<vmem>>, vector<1x2048x128xf32>
    %get3A_133 = vector.shape_cast %get3A_132 : vector<1x2048x128xf32> to vector<2048x128xf32>
    %transpose3A_134 = tpu.transpose %get3A_133, [1, 0] : vector<2048x128xf32> -> vector<128x2048xf32>
    %tanh3A_135 = math.tanh %transpose3A_134 : vector<128x2048xf32>
    %dot_general3A_136 = arith.constant dense<0.000000e+00> : vector<128x2048xf32>
    %dot_general3A_137 = tpu.matmul %get3A_1, %tanh3A_135, %dot_general3A_136 {dimension_numbers = #tpu.dot_dimension_numbers<[1], [0], [0], [1], [0, 0, 1, 1], [], []>, transpose_lhs_hint = false} : vector<128x128xf32>, vector<128x2048xf32>, vector<128x2048xf32> -> vector<128x2048xf32>
    %add3A_138 = vector.broadcast %get3A_4 : vector<128x1xf32> to vector<128x2048xf32>
    %add3A_139 = arith.addf %dot_general3A_137, %add3A_138 : vector<128x2048xf32>
    %mul3A_140 = arith.mulf %add3A_11, %add3A_139 : vector<128x2048xf32>
    %reduce_sum3A_141 = arith.constant dense<0.000000e+00> : vector<2048xf32>
    %reduce_sum3A_142 = vector.multi_reduction <add>, %mul3A_140, %reduce_sum3A_141 [0] : vector<128x2048xf32> to vector<2048xf32>
    %broadcast_in_dim3A_143 = vector.shape_cast %reduce_sum3A_142 : vector<2048xf32> to vector<1x2048xf32>
    %concatenate3A = tpu.concatenate %broadcast_in_dim3A, %broadcast_in_dim3A_38, %broadcast_in_dim3A_53, %broadcast_in_dim3A_68, %broadcast_in_dim3A_83, %broadcast_in_dim3A_98, %broadcast_in_dim3A_113, %broadcast_in_dim3A_128, %broadcast_in_dim3A_143 in 0 : vector<1x2048xf32>, vector<1x2048xf32>, vector<1x2048xf32>, vector<1x2048xf32>, vector<1x2048xf32>, vector<1x2048xf32>, vector<1x2048xf32>, vector<1x2048xf32>, vector<1x2048xf32> -> vector<9x2048xf32>
    %mul3A_144 = arith.constant 1.000000e+00 : f32
    %mul3A_145 = vector.broadcast %mul3A_144 : f32 to vector<9x2048xf32>
    %mul3A_146 = arith.mulf %mul3A_145, %concatenate3A : vector<9x2048xf32>
    %exp3A = math.exp %mul3A_146 : vector<9x2048xf32>
    %add3A_147 = arith.constant 1.000000e+00 : f32
    %add3A_148 = vector.broadcast %add3A_147 : f32 to vector<9x2048xf32>
    %add3A_149 = arith.addf %add3A_148, %exp3A : vector<9x2048xf32>
    %div3A = arith.constant 1.000000e+00 : f32
    %div3A_150 = vector.broadcast %div3A : f32 to vector<9x2048xf32>
    %div3A_151 = arith.divf %div3A_150, %add3A_149 : vector<9x2048xf32>
    %add3A_152 = arith.constant 1.000000e-15 : f32
    %add3A_153 = vector.broadcast %add3A_152 : f32 to vector<9x2048xf32>
    %add3A_154 = arith.addf %div3A_151, %add3A_153 : vector<9x2048xf32>
    %log3A = math.log %add3A_154 : vector<9x2048xf32>
    %neg3A = arith.constant 0.000000e+00 : f32
    %neg3A_155 = vector.broadcast %neg3A : f32 to vector<9x2048xf32>
    %neg3A_156 = arith.subf %neg3A_155, %log3A : vector<9x2048xf32>
    %reduce_sum3A_157 = vector.shape_cast %neg3A_156 : vector<9x2048xf32> to vector<1x9x2048xf32>
    %reduce_sum3A_158 = arith.constant dense<0.000000e+00> : vector<1xf32>
    %reduce_sum3A_159 = vector.multi_reduction <add>, %reduce_sum3A_157, %reduce_sum3A_158 [1, 2] : vector<1x9x2048xf32> to vector<1xf32>
    %reduce_sum3A_160 = vector.shape_cast %reduce_sum3A_159 : vector<1xf32> to vector<1x1x1xf32>
    %reduce_sum3A_161 = vector.extract %reduce_sum3A_160[0, 0, 0] : f32 from vector<1x1x1xf32>
    %eq3A = arith.constant 0 : i32
    %eq3A_162 = arith.cmpi eq, %arg0, %eq3A : i32
    %convert_element_type3A = arith.extui %eq3A_162 : i1 to i32
    %cond3A = arith.constant 0 : i32
    %cond3A_163 = arith.cmpi ne, %convert_element_type3A, %cond3A : i32
    scf.if %cond3A_163 {
      %swap3A_175 = arith.constant 0.000000e+00 : f32
      %swap3A_176 = arith.constant 0 : index
      %swap3A_177 = arith.constant 0 : index
      %swap3A_178 = memref.load %arg5[%swap3A_176, %swap3A_177] : memref<1x1xf32, #tpu.memory_space<smem>>
      memref.store %swap3A_175, %arg5[%swap3A_176, %swap3A_177] : memref<1x1xf32, #tpu.memory_space<smem>>
    } else {
    }
    %get3A_164 = arith.constant 0 : index
    %get3A_165 = arith.constant 0 : index
    %get3A_166 = memref.load %arg5[%get3A_164, %get3A_165] : memref<1x1xf32, #tpu.memory_space<smem>>
    %add3A_167 = arith.addf %get3A_166, %reduce_sum3A_161 : f32
    %swap3A = arith.constant 0 : index
    %swap3A_168 = arith.constant 0 : index
    %swap3A_169 = memref.load %arg5[%swap3A, %swap3A_168] : memref<1x1xf32, #tpu.memory_space<smem>>
    memref.store %add3A_167, %arg5[%swap3A, %swap3A_168] : memref<1x1xf32, #tpu.memory_space<smem>>
    %eq3A_170 = arith.constant 1 : i32
    %eq3A_171 = arith.cmpi eq, %arg0, %eq3A_170 : i32
    %convert_element_type3A_172 = arith.extui %eq3A_171 : i1 to i32
    %cond3A_173 = arith.constant 0 : i32
    %cond3A_174 = arith.cmpi ne, %convert_element_type3A_172, %cond3A_173 : i32
    scf.if %cond3A_174 {
      %get3A_175 = arith.constant 0 : index
      %get3A_176 = arith.constant 0 : index
      %get3A_177 = memref.load %arg5[%get3A_175, %get3A_176] : memref<1x1xf32, #tpu.memory_space<smem>>
      %swap3A_178 = arith.constant 0 : index
      %swap3A_179 = arith.constant 0 : index
      %swap3A_180 = memref.load %arg4[%swap3A_178, %swap3A_179] : memref<1x1xf32, #tpu.memory_space<smem>>
      memref.store %get3A_177, %arg4[%swap3A_178, %swap3A_179] : memref<1x1xf32, #tpu.memory_space<smem>>
    } else {
    }
    return
  }
  func.func @transform_0(%arg0: i32) -> (i32, i32, i32) {
    %c0_i32 = arith.constant 0 : i32
    %c0_i32_0 = arith.constant 0 : i32
    %c0_i32_1 = arith.constant 0 : i32
    return %c0_i32, %arg0, %c0_i32_0 : i32, i32, i32
  }
  func.func @transform_1(%arg0: i32) -> (i32, i32) {
    %c0_i32 = arith.constant 0 : i32
    %c0_i32_0 = arith.constant 0 : i32
    %c0_i32_1 = arith.constant 0 : i32
    return %c0_i32, %c0_i32_0 : i32, i32
  }
  func.func @transform_2(%arg0: i32) -> (i32, i32) {
    %c0_i32 = arith.constant 0 : i32
    %c0_i32_0 = arith.constant 0 : i32
    %c0_i32_1 = arith.constant 0 : i32
    return %c0_i32, %c0_i32_0 : i32, i32
  }
  func.func @transform_3(%arg0: i32) -> (i32, i32) {
    %c0_i32 = arith.constant 0 : i32
    %c0_i32_0 = arith.constant 0 : i32
    %c0_i32_1 = arith.constant 0 : i32
    return %c0_i32, %c0_i32_0 : i32, i32
  }
}

</mosaic_0001>

<sc_bundles>
// kernel: kernel.6.cloned.1.call-start
scs
__scs_entry_jumppad:
0x0: {  	(pc) =	sbr.rel $0x88, $3  }
0x1: {  	(tag) =	ssettag $0x0;
	lr =	simm.s32 $0x1  }
0x2: {  	[smem:$0x3F9C] =	sst lr;
	_ =	strace $0xD0000000  }
0x3: {  	_ = 	snop  }
0x4: {  	_ = 	snop  }
0x5: {  	_ = 	snop  }
0x6: {  	_ = 	snop  }
0x7: {  	_ = 	snop  }
__scs_overlays_trampoline_lowered:
0x8: {  	[smem:$0x3FAB] =	sst s0  }
0x9: {  	[smem:$0x3FAC] =	sst s1  }
0xa: {  	[smem:$0x3FAD] =	sst s2  }
0xb: {  	[smem:$0x3FAE] =	sst s3  }
0xc: {  	[smem:$0x3FAF] =	sst s4  }
0xd: {  	[smem:$0x3FB0] =	sst s5  }
0xe: {  	[smem:$0x3FB1] =	sst s6  }
0xf: {  	[smem:$0x3FB2] =	sst s7  }
0x10: {  	[smem:$0x3FB3] =	sst s8  }
0x11: {  	[smem:$0x3FB4] =	sst s9;
	s0 =	simm.s32 @!p0 $0x0  }
0x12: {  	s1 =	sld [smem:$0x3F9A];
	s0 =	simm.s32 @p0 $0x1  }
0x13: {  	[smem:$0x3FB5] =	sst s0;
	s0 =	simm.s32 @!p1 $0x0  }
0x14: {  	s2 =	sld [smem:$0x3F99];
	s0 =	simm.s32 @p1 $0x1  }
0x15: {  	[smem:$0x3FB6] =	sst s0;
	s0 =	simm.s32 @!p2 $0x0  }
0x16: {  	s3 =	sld [smem:$0x3FDB];
	s0 =	simm.s32 @p2 $0x1  }
0x17: {  	s4 =	simm.s32 $0x1BF5;
	[smem:$0x3FB8] =	sst s0  }
0x18: {  	s0 =	sld [smem:$0x3F9B];
	_ =	swait.ge [sflag:s4], $0x0  }
0x19: {  	s7 =	sld [smem:$0x3F9C]  }
0x1a: {  	s8 =	sadd.s32 $0xFFFFE003, lr  }
0x1b: {  	s9 =	sadd.s32 $0xFFFFFEF7, lr;
	s5 =	simm.s32 $0xFFFFFFFF;
	p2 =	slt.u32 s8, $0xFFFFF086  }
0x1c: {  	p1 =	slt.u32 s9, $0xF7A;
	s5 =	simm.s32 @!p2 $0x0  }
0x1d: {  	s5 =	simm.s32 @p1 $0x1;
	p0 =	seq.s32 s7, s2  }
0x1e: {  	s7 =	smul.u32 @!p0 $0xF7A, s2;
	p2 =	seq.s32 @!p0 s5, $0x0  }
0x1f: {  	s9 =	smul.u32 $0xF7A, s1;
	s8 =	simm.s32 @!p0 $0x1BF5;
	p2 =	por !p2, p0  }
0x20: {  	[sflag:s8] =	ssyncset.s32 @!p0 $0xFFFFF086;
	s6 =	sadd.s32 @!p0 s3, s7;
	s7 =	simm.s32 @!p0 $0x108  }
0x21: {  	s3 =	sadd.s32 s3, s9;
	s6 =	sadd.s32 @!p0 $0x88, s6;
	s7 =	simm.s32 @p2 $0x1082  }
0x22: {  	[simem:s7], [sflag:s8] =	dma.local @!p0 [hbm:s6], $0xF7A  }
0x23: {  	s9 =	sor.u32 $0xD0000000, s2;
	s6 =	simm.s32 $0x108;
	_ =	swait.ge @!p0 [sflag:s8], $0x0  }
0x24: {  	s3 =	sadd.s32 $0x88, s3;
	s6 =	simm.s32 @!p1 $0x1082;
	[sflag:s4] =	ssyncset.s32 $0xFFFFF086  }
0x25: {  	[simem:s6], [sflag:s4] =	dma.local [hbm:s3], $0xF7A  }
0x26: {  	[smem:$0x3F9C] =	sst s1;
	(tag) =	ssettag s2;
	_ =	strace s9  }
0x27: {  	s1 =	sld [smem:$0x3FAC]  }
0x28: {  	s2 =	sld [smem:$0x3FAD]  }
0x29: {  	s4 =	sld [smem:$0x3FAF]  }
0x2a: {  	p0 =	seq.s32 s5, $0x0;
	s5 =	sld [smem:$0x3FB0]  }
0x2b: {  	s6 =	sld [smem:$0x3FB1]  }
0x2c: {  	s7 =	sld [smem:$0x3FB2]  }
0x2d: {  	s3 =	simm.s32 $0x108;
	s8 =	sld [smem:$0x3FB3]  }
0x2e: {  	s3 =	simm.s32 @!p0 $0x1082;
	s9 =	sld [smem:$0x3FB4]  }
0x2f: {  	lr =	sadd.s32 s0, s3;
	s0 =	sld [smem:$0x3FAB]  }
0x30: {  	s3 =	sld [smem:$0x3FAE]  }
0x31: {  	[smem:$0x3FB7] =	sst s10  }
0x32: {  	s10 =	sld [smem:$0x3FB5];
	_ =	sdelay $0x3  }
0x33: {  	p0 =	seq.s32 s10, $0x1;
	s10 =	sld [smem:$0x3FB7];
	_ =	sdelay $0x3  }
0x34: {  	[smem:$0x3FB7] =	sst s10  }
0x35: {  	s10 =	sld [smem:$0x3FB6];
	_ =	sdelay $0x3  }
0x36: {  	p1 =	seq.s32 s10, $0x1;
	s10 =	sld [smem:$0x3FB7];
	_ =	sdelay $0x3  }
0x37: {  	[smem:$0x3FB7] =	sst s10  }
0x38: {  	s10 =	sld [smem:$0x3FB8]  }
0x39: {  	_ = 	snop;
	(pc) =	sbr.ind lr, $3  }
0x3a: {  	_ = 	snop  }
0x3b: {  	_ = 	snop  }
0x3c: {  	p2 =	seq.s32 s10, $0x1;
	s10 =	sld [smem:$0x3FB7]  }
0x3d: {  	_ =	shalt  }
0x3e: {  	_ =	shalt  }
0x3f: {  	_ =	shalt  }
0x40: {  	_ =	shalt  }
0x41: {  	_ =	shalt  }
0x42: {  	_ =	shalt  }
0x43: {  	_ =	shalt  }
0x44: {  	_ =	shalt  }
0x45: {  	_ =	shalt  }
0x46: {  	_ =	shalt  }
0x47: {  	_ =	shalt  }
0x48: {  	_ =	shalt  }
0x49: {  	_ =	shalt  }
0x4a: {  	_ =	shalt  }
0x4b: {  	_ =	shalt  }
0x4c: {  	_ =	shalt  }
0x4d: {  	_ =	shalt  }
0x4e: {  	_ =	shalt  }
0x4f: {  	_ =	shalt  }
0x50: {  	_ =	shalt  }
0x51: {  	_ =	shalt  }
0x52: {  	_ =	shalt  }
0x53: {  	_ =	shalt  }
0x54: {  	_ =	shalt  }
0x55: {  	_ =	shalt  }
0x56: {  	_ =	shalt  }
0x57: {  	_ =	shalt  }
0x58: {  	_ =	shalt  }
0x59: {  	_ =	shalt  }
0x5a: {  	_ =	shalt  }
0x5b: {  	_ =	shalt  }
0x5c: {  	_ =	shalt  }
0x5d: {  	_ =	shalt  }
0x5e: {  	_ =	shalt  }
0x5f: {  	_ =	shalt  }
0x60: {  	_ =	shalt  }
0x61: {  	_ =	shalt  }
0x62: {  	_ =	shalt  }
0x63: {  	_ =	shalt  }
0x64: {  	_ =	shalt  }
0x65: {  	_ =	shalt  }
0x66: {  	_ =	shalt  }
0x67: {  	_ =	shalt  }
0x68: {  	_ =	shalt  }
0x69: {  	_ =	shalt  }
0x6a: {  	_ =	shalt  }
0x6b: {  	_ =	shalt  }
0x6c: {  	_ =	shalt  }
0x6d: {  	_ =	shalt  }
0x6e: {  	_ =	shalt  }
0x6f: {  	_ =	shalt  }
0x70: {  	_ =	shalt  }
0x71: {  	_ =	shalt  }
0x72: {  	_ =	shalt  }
0x73: {  	_ =	shalt  }
0x74: {  	_ =	shalt  }
0x75: {  	_ =	shalt  }
0x76: {  	_ =	shalt  }
0x77: {  	_ =	shalt  }
0x78: {  	_ =	shalt  }
0x79: {  	_ =	shalt  }
0x7a: {  	_ =	shalt  }
0x7b: {  	_ =	shalt  }
0x7c: {  	_ =	shalt  }
0x7d: {  	_ =	shalt  }
0x7e: {  	_ =	shalt  }
0x7f: {  	_ =	shalt  }
0x80: {  	_ =	shalt  }
0x81: {  	_ =	shalt  }
0x82: {  	_ =	shalt  }
0x83: {  	_ =	shalt  }
0x84: {  	_ =	shalt  }
0x85: {  	_ =	shalt  }
0x86: {  	_ =	shalt  }
0x87: {  	_ =	shalt  }
.Lfunc_end0:
.L_simem_size_0:
called_computation_lowered:
.L_overlay_start_0:
0x88: {  	s2 =	sld [smem:$0x3FD9]  }
0x89: {  	s3 =	sld [smem:$0x3FFE];
	_ =	sdelay $0x1  }
0x8a: {  	s1 =	srdreg.scid  }
0x8b: {  	s0 =	sand.u32 $0x1, s1  }
0x8c: {  	s17 =	sshll.u32 s0, $0xA;
	s2 =	sadd.s32 s3, s2  }
0x8d: {  	s2 =	sadd.s32 s2, s17  }
0x8e: {  	[smem:$0x3FC3] =	sst s2  }
0x8f: {  	_ = 	snop  }
0x90: {  	s2 =	sld [smem:$0x3FC7];
	(tm) =	ssettm $0x1  }
0x91: {  	s18 =	sld [smem:$0x3FFB];
	_ =	sdelay $0x3  }
0x92: {  	_ =	strace s18  }
0x93: {  	s3 =	sld [smem:$0x3FFC];
	_ =	sdelay $0x3  }
0x94: {  	_ =	strace s3  }
0x95: {  	s3 =	sld [smem:$0x3FFD];
	_ =	sdelay $0x3  }
0x96: {  	_ =	strace s3  }
0x97: {  	_ =	strace $0x8FFFFFFF  }
0x98: {  	s19 =	sld [smem:$0x3FDB];
	_ =	sdelay $0x1  }
0x99: {  	s4 =	simm.s32 $_scs_section_size  }
0x9a: {  	s5 =	simm.s32 $_size__tile_overlayer_lowered;
	s6 =	simm.s32 $_tile_overlayer_lowered  }
0x9b: {  	s22 =	simm.s32 $0x1BFF;
	s21 =	sshll.u32 s6, $0x1;
	s3 =	sadd.s32 s4, s19  }
0x9c: {  	s7 =	simm.s32 $0x0;
	s20 =	sshll.u32 s5, $0x1;
	s5 =	sadd.s32 s21, s3  }
0x9d: {  	[timem:s7], [sflag:s22] =	dma.local [hbm:s5], s20  }
0x9e: {  	_ =	swait.ge [sflag:s22], s20  }
0x9f: {  	s4 =	ssub.s32 $0x0, s20;
	[sflag:s22] =	ssyncset.done $0x0  }
0xa0: {  	[sflag:s22] =	ssyncadd.s32 s4;
	_ =	sdelay $0x1  }
0xa1: {  	s23 =	simm.s32 $0x1B8B  }
0xa2: {  	_ =	swait.ge [sflag:s23], $0x1  }
0xa3: {  	[sflag:s23] =	ssyncset.done $0x0  }
0xa4: {  	s25 =	simm.s32 $0x1B8E;
	s24 =	sld [smem:$0x3FFE];
	[sflag:s23] =	ssyncadd.s32 $0xFFFFFFFF  }
0xa5: {  	s26 =	simm.s32 $execute0_lowered;
	[smem:$0x3FD2] =	sst s25  }
0xa6: {  	s5 =	sshll.u32 s26, $0x1;
	_ =	strace $0x80000046;
	[dreg:$0x1] =	wrdreg $0xFFFFFFFF  }
0xa7: {  	s28 =	simm.s32 $_size_execute0_lowered;
	s3 =	sadd.s32 s3, s5;
	[dreg:$0x0] =	wrdreg $0x0  }
0xa8: {  	s5 =	sshll.u32 s28, $0x1;
	[dreg:$0x2] =	wrdreg s3  }
0xa9: {  	[dreg:$0x3] =	wrdreg s5  }
0xaa: {  	[dreg:$0x4] =	wrdreg $0xC0  }
0xab: {  	_ =	task [dreg:s7], $0x5FFFF  }
0xac: {  	[dreg:$0x1] =	wrdreg $0xFFFFFFFF  }
0xad: {  	[dreg:$0x0] =	wrdreg $0x60  }
0xae: {  	[dreg:$0x2] =	wrdreg s2  }
0xaf: {  	[dreg:$0x3] =	wrdreg s24  }
0xb0: {  	[dreg:$0x4] =	wrdreg $0x9  }
0xb1: {  	_ =	task.clear_ibuf [dreg:s7], $0x5FFFF;
	_ =	strace $0x90000046  }
0xb2: {  	s29 =	simm.s32 $0x9;
	_ =	strace $0x80000048  }
0xb3: {  	_ =	swait.ge [sflag:s29], $0x1  }
0xb4: {  	[sflag:s29] =	ssyncadd.s32 $0xFFFFFFFF  }
0xb5: {  	_ =	strace $0x90000048  }
0xb6: {  	_ =	sfence  }
0xb7: {  	s30 =	sld [smem:$0x0];
	_ =	sdelay $0x2  }
0xb8: {  	s31 =	sshll.u32 s1, $0xD;
	s1 =	sshrl.u32 s1, $0x2  }
0xb9: {  	s3 =	sand.u32 $0x4000, s31;
	s1 =	sadd.s32 s1, s30  }
0xba: {  	s0 =	sor.u32 s3, s0;
	s1 =	sshll.u32 s1, $0x11  }
0xbb: {  	s0 =	sor.u32 s1, s0  }
0xbc: {  	s0 =	sadd.s32 $0x8F2B, s0  }
0xbd: {  	[sflag:s0] =	ssyncadd.remote.s32 $0x1  }
0xbe: {  	_ =	sfence.sel $0xFFFF  }
0xbf: {  	[dreg:$0x0] =	wrdreg $0xFFFFFFFF;
	(pc) =	sbr.abs _section_cstart, $3  }
0xc0: {  	[dreg:$0x1] =	wrdreg $0xFFFFFFFF  }
0xc1: {  	_ =	task.clear_ibuf [dreg:s7], $0x2FFFF;
	_ =	strace $0x9FFFFFFF  }
0xc2: {  	(tm) =	ssettm $0x7FFFFFFF  }
0xc3: {  	_ =	shalt  }
tec
execute0_lowered:
.L_overlay_start_1:
0x0: {  	(tag) =	ssettag $0x1  }
0x1: {  	s0 =	srdreg.scid;
	s3 =	rddreg [dreg:$0x0]  }
0x2: {  	s1 =	stileid.u32;
	s4 =	rddreg [dreg:$0x1]  }
0x3: {  	s2 =	simm.s32 $0x0;
	s31 =	simm.s32 $0xF;
	s9 =	simm.s32 $0x800  }
0x4: {  	s22 =	simm.s32 $0x100;
	s8 =	simm.s32 $0x4800;
	s23 =	simm.s32 $0x180  }
0x5: {  	s7 =	simm.s32 $0x8800;
	s24 =	simm.s32 $0x200;
	s25 =	simm.s32 $0x280  }
0x6: {  	s26 =	simm.s32 $0x300;
	s13 =	simm.s32 $0x1;
	s11 =	simm.s32 $0x2  }
0x7: {  	s10 =	simm.s32 $0x3;
	s30 =	simm.s32 $0x400;
	[smem:$0x7FF] =	sst s2  }
0x8: {  	s28 =	simm.s32 $0x4;
	_ =	strace $0x80000047;
	[dreg:$0xd] =	wrdreg s22  }
0x9: {  	s29 =	simm.s32 $0x480;
	p0 =	por $0x0, $0x0;
	[dreg:$0xe] =	wrdreg s23  }
0xa: {  	s0 =	sand.u32 $0x1, s0;
	s1 =	sshll.u32 s1, $0x1;
	[dreg:$0xf] =	wrdreg s24  }
0xb: {  	s12 =	simm.s32 $0xE;
	s1 =	sor.u32 s0, s1;
	[dreg:$0x10] =	wrdreg s25  }
0xc: {  	s0 =	ssub.s32 $0x2, s0;
	[dreg:$0x11] =	wrdreg s26;
	s5 =	smul.u32 $0x5000, s1  }
0xd: {  	s6 =	sshll.u32 s1, $0x8;
	s1 =	smul.u32 $0x28000, s1;
	s20 =	sshrl.u32 s0, $0x1  }
0xe: {  	s6 =	sadd.s32 s6, s4;
	s4 =	sadd.s32 $0x3200, s4;
	s0 =	ssub.s32 s0, s20  }
0xf: {  	s6 =	sadd.s32 $0x1200, s6;
	s17 =	sadd.s32 s4, s5;
	s1 =	sshrl.u32 s1, $0x3  }
0x10: {  	s0 =	smax.u32 s0, $0x1;
	[dreg:$0x3] =	wrdreg s6;
	s5 =	sadd.s32 $0x800, s17  }
0x11: {  	s1 =	sadd.s32 s4, s1;
	p1 =	sne.s32 s0, $0x1;
	[dreg:$0x4] =	wrdreg s5  }
0x12: {  	s26 =	sadd.s32 $0xFFFFFFFF, s0;
	s4 =	sadd.s32 $0x1000, s1;
	s0 =	rddreg [dreg:$0x3]  }
0x13: {  	s22 =	simm.s32 $0xC800;
	s14 =	sadd.s32 $0x1800, s1;
	[dreg:$0x5] =	wrdreg s4  }
0x14: {  	s25 =	simm.s32 $0x5;
	s15 =	sadd.s32 $0x2000, s1;
	[dreg:$0x6] =	wrdreg s14  }
0x15: {  	s24 =	simm.s32 $0x6;
	s16 =	sadd.s32 $0x2800, s1;
	[dreg:$0x7] =	wrdreg s15  }
0x16: {  	s23 =	simm.s32 $0x7;
	s18 =	sadd.s32 $0x3000, s1;
	[dreg:$0x8] =	wrdreg s16  }
0x17: {  	s20 =	simm.s32 $0x14800;
	s19 =	sadd.s32 $0x3800, s1;
	[dreg:$0x9] =	wrdreg s18  }
.Ltmp0:
0x18: {  	s21 =	sadd.s32 $0x4000, s1;
	[dreg:$0xa] =	wrdreg s19;
	(pc) =	sbr.rel @!p1 .LBB2_1-.Ltmp0, $4  }
0x19: {  	s6 =	simm.s32 $0xA;
	s1 =	sadd.s32 $0x4800, s1;
	[dreg:$0xb] =	wrdreg s21  }
0x1a: {  	s5 =	simm.s32 $0x9;
	[dreg:$0xc] =	wrdreg s1;
	s16 =	simm.s32 $0x80  }
0x1b: {  	s21 =	simm.s32 $0x10800;
	s19 =	simm.s32 $0x18800;
	s4 =	simm.s32 $0x8  }
0x1c: {  	s18 =	simm.s32 $0xB;
	s15 =	simm.s32 $0xC;
	s14 =	simm.s32 $0xD  }
0x1d: {  	[tilespmem:s2], [sflag:$0xF] =	stream.linear.gather [hbm4b:s0+s2], $0x500, $0x38;
	[tilespmem:$0x1C800] =	vst v63  }
0x1e: {  	_ =	swait.ge [sflag:s31], $0x500  }
0x1f: {  	[sflag:s31] =	ssyncset.done $0x0  }
0x20: {  	[sflag:s31] =	ssyncadd.s32 $0xFFFFFB00  }
0x21: {  	[tilespmem:s9], [sflag:$0x1] =	stream.indirect.gather [hbm4b:s3+s16], $0x80, s2, s16, $0xb8;
	[tilespmem:$0x1C800] =	vst v63  }
0x22: {  	_ = 	snop  }
0x23: {  	[tilespmem:s8], [sflag:$0x2] =	stream.indirect.gather [hbm4b:s3+s16], $0x80, s16, s16, $0xb8;
	[tilespmem:$0x1C800] =	vst v63  }
0x24: {  	s0 =	rddreg [dreg:$0xd]  }
0x25: {  	[tilespmem:s7], [sflag:$0x3] =	stream.indirect.gather [hbm4b:s3+s16], $0x80, s0, s16, $0xb8;
	[tilespmem:$0x1C800] =	vst v63  }
0x26: {  	s1 =	rddreg [dreg:$0xe]  }
0x27: {  	[tilespmem:s22], [sflag:$0x4] =	stream.indirect.gather [hbm4b:s3+s16], $0x80, s1, s16, $0xb8;
	[tilespmem:$0x1C800] =	vst v63  }
0x28: {  	s0 =	rddreg [dreg:$0xf]  }
0x29: {  	[tilespmem:s21], [sflag:$0x5] =	stream.indirect.gather [hbm4b:s3+s16], $0x80, s0, s16, $0xb8;
	[tilespmem:$0x1C800] =	vst v63  }
0x2a: {  	s1 =	rddreg [dreg:$0x10]  }
0x2b: {  	[tilespmem:s20], [sflag:$0x6] =	stream.indirect.gather [hbm4b:s3+s16], $0x80, s1, s16, $0xb8;
	[tilespmem:$0x1C800] =	vst v63  }
0x2c: {  	_ =	swait.ge [sflag:s13], $0x4000  }
0x2d: {  	[sflag:s13] =	ssyncset.done $0x0  }
0x2e: {  	[sflag:s13] =	ssyncadd.s32 $0xFFFFC000  }
0x2f: {  	[hbm4b:s17+s2] =	stream.linear.scatter [tilespmem:s9], [sflag:$0x8], $0x4000, $0x38;
	[tilespmem:$0x1C800] =	vst v63  }
0x30: {  	s1 =	rddreg [dreg:$0x11]  }
0x31: {  	[tilespmem:s19], [sflag:$0x7] =	stream.indirect.gather [hbm4b:s3+s16], $0x80, s1, s16, $0xb8;
	[tilespmem:$0x1C800] =	vst v63  }
0x32: {  	_ =	swait.ge [sflag:s11], $0x4000  }
0x33: {  	[sflag:s11] =	ssyncset.done $0x0  }
0x34: {  	s1 =	rddreg [dreg:$0x4];
	[sflag:s11] =	ssyncadd.s32 $0xFFFFC000  }
0x35: {  	[hbm4b:s1+s2] =	stream.linear.scatter [tilespmem:s8], [sflag:$0x9], $0x4000, $0x38;
	[tilespmem:$0x1C800] =	vst v63  }
0x36: {  	_ =	swait.ge [sflag:s4], $0x4000  }
0x37: {  	[sflag:s4] =	ssyncset.done $0x0  }
0x38: {  	s1 =	simm.s32 $0x380;
	[sflag:s4] =	ssyncadd.s32 $0xFFFFC000  }
0x39: {  	[tilespmem:s9], [sflag:$0x1] =	stream.indirect.gather [hbm4b:s3+s16], $0x80, s1, s16, $0xb8;
	[tilespmem:$0x1C800] =	vst v63  }
0x3a: {  	_ =	swait.ge [sflag:s10], $0x4000  }
0x3b: {  	[sflag:s10] =	ssyncset.done $0x0  }
0x3c: {  	s1 =	rddreg [dreg:$0x5];
	[sflag:s10] =	ssyncadd.s32 $0xFFFFC000  }
0x3d: {  	[hbm4b:s1+s2] =	stream.linear.scatter [tilespmem:s7], [sflag:$0xA], $0x4000, $0x38;
	[tilespmem:$0x1C800] =	vst v63  }
0x3e: {  	_ =	swait.ge [sflag:s5], $0x4000  }
0x3f: {  	[sflag:s5] =	ssyncset.done $0x0  }
0x40: {  	[sflag:s5] =	ssyncadd.s32 $0xFFFFC000  }
0x41: {  	[tilespmem:s8], [sflag:$0x2] =	stream.indirect.gather [hbm4b:s3+s16], $0x80, s30, s16, $0xb8;
	[tilespmem:$0x1C800] =	vst v63  }
0x42: {  	_ =	swait.ge [sflag:s28], $0x4000  }
0x43: {  	[sflag:s28] =	ssyncset.done $0x0  }
0x44: {  	s1 =	rddreg [dreg:$0x6];
	[sflag:s28] =	ssyncadd.s32 $0xFFFFC000  }
0x45: {  	[hbm4b:s1+s2] =	stream.linear.scatter [tilespmem:s22], [sflag:$0xB], $0x4000, $0x38;
	[tilespmem:$0x1C800] =	vst v63  }
0x46: {  	_ =	swait.ge [sflag:s6], $0x4000  }
0x47: {  	[sflag:s6] =	ssyncset.done $0x0  }
0x48: {  	[sflag:s6] =	ssyncadd.s32 $0xFFFFC000  }
0x49: {  	[tilespmem:s7], [sflag:$0x3] =	stream.indirect.gather [hbm4b:s3+s16], $0x80, s29, s16, $0xb8;
	[tilespmem:$0x1C800] =	vst v63  }
0x4a: {  	_ =	swait.ge [sflag:s25], $0x4000  }
0x4b: {  	[sflag:s25] =	ssyncset.done $0x0  }
0x4c: {  	s1 =	rddreg [dreg:$0x7];
	[sflag:s25] =	ssyncadd.s32 $0xFFFFC000  }
0x4d: {  	[hbm4b:s1+s2] =	stream.linear.scatter [tilespmem:s21], [sflag:$0xC], $0x4000, $0x38;
	[tilespmem:$0x1C800] =	vst v63  }
0x4e: {  	_ =	swait.ge [sflag:s24], $0x4000  }
0x4f: {  	[sflag:s24] =	ssyncset.done $0x0  }
0x50: {  	s1 =	rddreg [dreg:$0x8];
	[sflag:s24] =	ssyncadd.s32 $0xFFFFC000  }
0x51: {  	[hbm4b:s1+s2] =	stream.linear.scatter [tilespmem:s20], [sflag:$0xD], $0x4000, $0x38;
	[tilespmem:$0x1C800] =	vst v63  }
0x52: {  	_ =	swait.ge [sflag:s23], $0x4000  }
0x53: {  	[sflag:s23] =	ssyncset.done $0x0  }
0x54: {  	s1 =	rddreg [dreg:$0x9];
	[sflag:s23] =	ssyncadd.s32 $0xFFFFC000  }
0x55: {  	[hbm4b:s1+s2] =	stream.linear.scatter [tilespmem:s19], [sflag:$0xE], $0x4000, $0x38;
	[tilespmem:$0x1C800] =	vst v63  }
0x56: {  	_ =	swait.ge [sflag:s13], $0x4000  }
0x57: {  	[sflag:s13] =	ssyncset.done $0x0  }
0x58: {  	s1 =	rddreg [dreg:$0xa];
	[sflag:s13] =	ssyncadd.s32 $0xFFFFC000  }
0x59: {  	[hbm4b:s1+s2] =	stream.linear.scatter [tilespmem:s9], [sflag:$0x8], $0x4000, $0x38;
	[tilespmem:$0x1C800] =	vst v63  }
0x5a: {  	_ =	swait.ge [sflag:s11], $0x4000  }
0x5b: {  	[sflag:s11] =	ssyncset.done $0x0  }
0x5c: {  	s1 =	rddreg [dreg:$0xb];
	[sflag:s11] =	ssyncadd.s32 $0xFFFFC000  }
0x5d: {  	[hbm4b:s1+s2] =	stream.linear.scatter [tilespmem:s8], [sflag:$0x9], $0x4000, $0x38;
	[tilespmem:$0x1C800] =	vst v63  }
0x5e: {  	_ =	swait.ge [sflag:s10], $0x4000  }
0x5f: {  	[sflag:s10] =	ssyncset.done $0x0  }
0x60: {  	s1 =	rddreg [dreg:$0xc];
	[sflag:s10] =	ssyncadd.s32 $0xFFFFC000  }
0x61: {  	[hbm4b:s1+s2] =	stream.linear.scatter [tilespmem:s7], [sflag:$0xA], $0x4000, $0x38;
	[tilespmem:$0x1C800] =	vst v63  }
0x62: {  	_ =	swait.ge [sflag:s18], $0x4000  }
0x63: {  	[sflag:s18] =	ssyncset.done $0x0  }
0x64: {  	[sflag:s18] =	ssyncadd.s32 $0xFFFFC000  }
0x65: {  	_ =	swait.ge [sflag:s15], $0x4000  }
0x66: {  	[sflag:s15] =	ssyncset.done $0x0  }
0x67: {  	[sflag:s15] =	ssyncadd.s32 $0xFFFFC000  }
0x68: {  	_ =	swait.ge [sflag:s14], $0x4000  }
0x69: {  	[sflag:s14] =	ssyncset.done $0x0  }
0x6a: {  	[sflag:s14] =	ssyncadd.s32 $0xFFFFC000  }
0x6b: {  	_ =	swait.ge [sflag:s12], $0x4000  }
0x6c: {  	[sflag:s12] =	ssyncset.done $0x0  }
0x6d: {  	[sflag:s12] =	ssyncadd.s32 $0xFFFFC000  }
0x6e: {  	_ =	swait.ge [sflag:s4], $0x4000  }
0x6f: {  	[sflag:s4] =	ssyncset.done $0x0  }
0x70: {  	p1 =	sne.s32 s26, $0x1;
	[sflag:s4] =	ssyncadd.s32 $0xFFFFC000  }
.Ltmp1:
0x71: {  	_ =	swait.ge [sflag:s5], $0x4000;
	(pc) =	sbr.rel @!p1 .LBB2_3-.Ltmp1, $4  }
0x72: {  	[sflag:s5] =	ssyncset.done $0x0  }
0x73: {  	[sflag:s5] =	ssyncadd.s32 $0xFFFFC000  }
0x74: {  	p0 =	por $0x1, $0x1;
	_ =	swait.ge [sflag:s6], $0x4000  }
0x75: {  	s1 =	sadd.s32 $0xFFFFFFFF, s26;
	s0 =	rddreg [dreg:$0x3];
	[sflag:s6] =	ssyncset.done $0x0  }
.LBB2_4:
0x76: {  	[sflag:s6] =	ssyncadd.s32 $0xFFFFC000  }
0x77: {  	[tilespmem:s2], [sflag:$0xF] =	stream.linear.gather [hbm4b:s0+s2], $0x500, $0x38;
	[tilespmem:$0x1C800] =	vst v63  }
0x78: {  	_ =	swait.ge [sflag:s31], $0x500  }
0x79: {  	[sflag:s31] =	ssyncset.done $0x0  }
0x7a: {  	[sflag:s31] =	ssyncadd.s32 $0xFFFFFB00  }
0x7b: {  	[tilespmem:s9], [sflag:$0x1] =	stream.indirect.gather [hbm4b:s3+s16], $0x80, s2, s16, $0xb8;
	[tilespmem:$0x1C800] =	vst v63  }
0x7c: {  	_ = 	snop  }
0x7d: {  	[tilespmem:s8], [sflag:$0x2] =	stream.indirect.gather [hbm4b:s3+s16], $0x80, s16, s16, $0xb8;
	[tilespmem:$0x1C800] =	vst v63  }
0x7e: {  	s0 =	rddreg [dreg:$0xd]  }
0x7f: {  	[tilespmem:s7], [sflag:$0x3] =	stream.indirect.gather [hbm4b:s3+s16], $0x80, s0, s16, $0xb8;
	[tilespmem:$0x1C800] =	vst v63  }
0x80: {  	s26 =	rddreg [dreg:$0xe]  }
0x81: {  	[tilespmem:s22], [sflag:$0x4] =	stream.indirect.gather [hbm4b:s3+s16], $0x80, s26, s16, $0xb8;
	[tilespmem:$0x1C800] =	vst v63  }
0x82: {  	s0 =	rddreg [dreg:$0xf]  }
0x83: {  	[tilespmem:s21], [sflag:$0x5] =	stream.indirect.gather [hbm4b:s3+s16], $0x80, s0, s16, $0xb8;
	[tilespmem:$0x1C800] =	vst v63  }
0x84: {  	s26 =	rddreg [dreg:$0x10]  }
0x85: {  	[tilespmem:s20], [sflag:$0x6] =	stream.indirect.gather [hbm4b:s3+s16], $0x80, s26, s16, $0xb8;
	[tilespmem:$0x1C800] =	vst v63  }
0x86: {  	_ =	swait.ge [sflag:s13], $0x4000  }
0x87: {  	[sflag:s13] =	ssyncset.done $0x0  }
0x88: {  	[sflag:s13] =	ssyncadd.s32 $0xFFFFC000  }
0x89: {  	[hbm4b:s17+s2] =	stream.linear.scatter [tilespmem:s9], [sflag:$0x8], $0x4000, $0x38;
	[tilespmem:$0x1C800] =	vst v63  }
0x8a: {  	s26 =	rddreg [dreg:$0x11]  }
0x8b: {  	[tilespmem:s19], [sflag:$0x7] =	stream.indirect.gather [hbm4b:s3+s16], $0x80, s26, s16, $0xb8;
	[tilespmem:$0x1C800] =	vst v63  }
0x8c: {  	_ =	swait.ge [sflag:s11], $0x4000  }
0x8d: {  	[sflag:s11] =	ssyncset.done $0x0  }
0x8e: {  	s26 =	rddreg [dreg:$0x4];
	[sflag:s11] =	ssyncadd.s32 $0xFFFFC000  }
0x8f: {  	[hbm4b:s26+s2] =	stream.linear.scatter [tilespmem:s8], [sflag:$0x9], $0x4000, $0x38;
	[tilespmem:$0x1C800] =	vst v63  }
0x90: {  	_ =	swait.ge [sflag:s4], $0x4000  }
0x91: {  	[sflag:s4] =	ssyncset.done $0x0  }
0x92: {  	s26 =	simm.s32 $0x380;
	[sflag:s4] =	ssyncadd.s32 $0xFFFFC000  }
0x93: {  	[tilespmem:s9], [sflag:$0x1] =	stream.indirect.gather [hbm4b:s3+s16], $0x80, s26, s16, $0xb8;
	[tilespmem:$0x1C800] =	vst v63  }
0x94: {  	_ =	swait.ge [sflag:s10], $0x4000  }
0x95: {  	[sflag:s10] =	ssyncset.done $0x0  }
0x96: {  	s26 =	rddreg [dreg:$0x5];
	[sflag:s10] =	ssyncadd.s32 $0xFFFFC000  }
0x97: {  	[hbm4b:s26+s2] =	stream.linear.scatter [tilespmem:s7], [sflag:$0xA], $0x4000, $0x38;
	[tilespmem:$0x1C800] =	vst v63  }
0x98: {  	_ =	swait.ge [sflag:s5], $0x4000  }
0x99: {  	[sflag:s5] =	ssyncset.done $0x0  }
0x9a: {  	[sflag:s5] =	ssyncadd.s32 $0xFFFFC000  }
0x9b: {  	[tilespmem:s8], [sflag:$0x2] =	stream.indirect.gather [hbm4b:s3+s16], $0x80, s30, s16, $0xb8;
	[tilespmem:$0x1C800] =	vst v63  }
0x9c: {  	_ =	swait.ge [sflag:s28], $0x4000  }
0x9d: {  	[sflag:s28] =	ssyncset.done $0x0  }
0x9e: {  	s26 =	rddreg [dreg:$0x6];
	[sflag:s28] =	ssyncadd.s32 $0xFFFFC000  }
0x9f: {  	[hbm4b:s26+s2] =	stream.linear.scatter [tilespmem:s22], [sflag:$0xB], $0x4000, $0x38;
	[tilespmem:$0x1C800] =	vst v63  }
0xa0: {  	_ =	swait.ge [sflag:s6], $0x4000  }
0xa1: {  	[sflag:s6] =	ssyncset.done $0x0  }
0xa2: {  	[sflag:s6] =	ssyncadd.s32 $0xFFFFC000  }
0xa3: {  	[tilespmem:s7], [sflag:$0x3] =	stream.indirect.gather [hbm4b:s3+s16], $0x80, s29, s16, $0xb8;
	[tilespmem:$0x1C800] =	vst v63  }
0xa4: {  	_ =	swait.ge [sflag:s25], $0x4000  }
0xa5: {  	[sflag:s25] =	ssyncset.done $0x0  }
0xa6: {  	s26 =	rddreg [dreg:$0x7];
	[sflag:s25] =	ssyncadd.s32 $0xFFFFC000  }
0xa7: {  	[hbm4b:s26+s2] =	stream.linear.scatter [tilespmem:s21], [sflag:$0xC], $0x4000, $0x38;
	[tilespmem:$0x1C800] =	vst v63  }
0xa8: {  	_ =	swait.ge [sflag:s24], $0x4000  }
0xa9: {  	[sflag:s24] =	ssyncset.done $0x0  }
0xaa: {  	s26 =	rddreg [dreg:$0x8];
	[sflag:s24] =	ssyncadd.s32 $0xFFFFC000  }
0xab: {  	[hbm4b:s26+s2] =	stream.linear.scatter [tilespmem:s20], [sflag:$0xD], $0x4000, $0x38;
	[tilespmem:$0x1C800] =	vst v63  }
0xac: {  	_ =	swait.ge [sflag:s23], $0x4000  }
0xad: {  	[sflag:s23] =	ssyncset.done $0x0  }
0xae: {  	s26 =	rddreg [dreg:$0x9];
	[sflag:s23] =	ssyncadd.s32 $0xFFFFC000  }
0xaf: {  	[hbm4b:s26+s2] =	stream.linear.scatter [tilespmem:s19], [sflag:$0xE], $0x4000, $0x38;
	[tilespmem:$0x1C800] =	vst v63  }
0xb0: {  	_ =	swait.ge [sflag:s13], $0x4000  }
0xb1: {  	[sflag:s13] =	ssyncset.done $0x0  }
0xb2: {  	s26 =	rddreg [dreg:$0xa];
	[sflag:s13] =	ssyncadd.s32 $0xFFFFC000  }
0xb3: {  	[hbm4b:s26+s2] =	stream.linear.scatter [tilespmem:s9], [sflag:$0x8], $0x4000, $0x38;
	[tilespmem:$0x1C800] =	vst v63  }
0xb4: {  	_ =	swait.ge [sflag:s11], $0x4000  }
0xb5: {  	[sflag:s11] =	ssyncset.done $0x0  }
0xb6: {  	s26 =	rddreg [dreg:$0xb];
	[sflag:s11] =	ssyncadd.s32 $0xFFFFC000  }
0xb7: {  	[hbm4b:s26+s2] =	stream.linear.scatter [tilespmem:s8], [sflag:$0x9], $0x4000, $0x38;
	[tilespmem:$0x1C800] =	vst v63  }
0xb8: {  	_ =	swait.ge [sflag:s10], $0x4000  }
0xb9: {  	[sflag:s10] =	ssyncset.done $0x0  }
0xba: {  	s26 =	rddreg [dreg:$0xc];
	[sflag:s10] =	ssyncadd.s32 $0xFFFFC000  }
0xbb: {  	[hbm4b:s26+s2] =	stream.linear.scatter [tilespmem:s7], [sflag:$0xA], $0x4000, $0x38;
	[tilespmem:$0x1C800] =	vst v63  }
0xbc: {  	_ =	swait.ge [sflag:s18], $0x4000  }
0xbd: {  	[sflag:s18] =	ssyncset.done $0x0  }
0xbe: {  	[sflag:s18] =	ssyncadd.s32 $0xFFFFC000  }
0xbf: {  	_ =	swait.ge [sflag:s15], $0x4000  }
0xc0: {  	[sflag:s15] =	ssyncset.done $0x0  }
0xc1: {  	[sflag:s15] =	ssyncadd.s32 $0xFFFFC000  }
0xc2: {  	_ =	swait.ge [sflag:s14], $0x4000  }
0xc3: {  	[sflag:s14] =	ssyncset.done $0x0  }
0xc4: {  	[sflag:s14] =	ssyncadd.s32 $0xFFFFC000  }
0xc5: {  	_ =	swait.ge [sflag:s12], $0x4000  }
0xc6: {  	[sflag:s12] =	ssyncset.done $0x0  }
0xc7: {  	[sflag:s12] =	ssyncadd.s32 $0xFFFFC000  }
0xc8: {  	_ =	swait.ge [sflag:s4], $0x4000  }
0xc9: {  	[sflag:s4] =	ssyncset.done $0x0  }
0xca: {  	p1 =	sne.s32 s1, $0x1;
	[sflag:s4] =	ssyncadd.s32 $0xFFFFC000  }
.Ltmp2:
0xcb: {  	_ =	swait.ge [sflag:s5], $0x4000;
	(pc) =	sbr.rel @p1 .LBB2_4-.Ltmp2, $4  }
0xcc: {  	[sflag:s5] =	ssyncset.done $0x0  }
0xcd: {  	[sflag:s5] =	ssyncadd.s32 $0xFFFFC000  }
0xce: {  	_ =	swait.ge [sflag:s6], $0x4000  }
0xcf: {  	s1 =	sadd.s32 $0xFFFFFFFF, s1;
	s0 =	rddreg [dreg:$0x3];
	[sflag:s6] =	ssyncset.done $0x0  }
0xd0: {  	s26 =	simm.s32 $0x380;
	s30 =	simm.s32 $0x400;
	s29 =	simm.s32 $0x480  }
.LBB2_6:
0xd1: {  	[sflag:s6] =	ssyncadd.s32 @p0 $0xFFFFC000  }
0xd2: {  	[tilespmem:s2], [sflag:$0xF] =	stream.linear.gather [hbm4b:s0+s2], $0x500, $0x38;
	[tilespmem:$0x1C800] =	vst v63  }
0xd3: {  	_ =	swait.ge [sflag:s31], $0x500  }
0xd4: {  	[sflag:s31] =	ssyncset.done $0x0  }
0xd5: {  	[sflag:s31] =	ssyncadd.s32 $0xFFFFFB00  }
0xd6: {  	[tilespmem:s9], [sflag:$0x1] =	stream.indirect.gather [hbm4b:s3+s16], $0x80, s2, s16, $0xb8;
	[tilespmem:$0x1C800] =	vst v63  }
0xd7: {  	_ = 	snop  }
0xd8: {  	[tilespmem:s8], [sflag:$0x2] =	stream.indirect.gather [hbm4b:s3+s16], $0x80, s16, s16, $0xb8;
	[tilespmem:$0x1C800] =	vst v63  }
0xd9: {  	s31 =	rddreg [dreg:$0xd]  }
0xda: {  	[tilespmem:s7], [sflag:$0x3] =	stream.indirect.gather [hbm4b:s3+s16], $0x80, s31, s16, $0xb8;
	[tilespmem:$0x1C800] =	vst v63  }
0xdb: {  	s1 =	rddreg [dreg:$0xe]  }
0xdc: {  	[tilespmem:s22], [sflag:$0x4] =	stream.indirect.gather [hbm4b:s3+s16], $0x80, s1, s16, $0xb8;
	[tilespmem:$0x1C800] =	vst v63  }
0xdd: {  	s0 =	rddreg [dreg:$0xf]  }
0xde: {  	[tilespmem:s21], [sflag:$0x5] =	stream.indirect.gather [hbm4b:s3+s16], $0x80, s0, s16, $0xb8;
	[tilespmem:$0x1C800] =	vst v63  }
0xdf: {  	s31 =	rddreg [dreg:$0x10]  }
0xe0: {  	[tilespmem:s20], [sflag:$0x6] =	stream.indirect.gather [hbm4b:s3+s16], $0x80, s31, s16, $0xb8;
	[tilespmem:$0x1C800] =	vst v63  }
0xe1: {  	_ =	swait.ge [sflag:s13], $0x4000  }
0xe2: {  	[sflag:s13] =	ssyncset.done $0x0  }
0xe3: {  	[sflag:s13] =	ssyncadd.s32 $0xFFFFC000  }
0xe4: {  	[hbm4b:s17+s2] =	stream.linear.scatter [tilespmem:s9], [sflag:$0x8], $0x4000, $0x38;
	[tilespmem:$0x1C800] =	vst v63  }
0xe5: {  	s1 =	rddreg [dreg:$0x11]  }
0xe6: {  	[tilespmem:s19], [sflag:$0x7] =	stream.indirect.gather [hbm4b:s3+s16], $0x80, s1, s16, $0xb8;
	[tilespmem:$0x1C800] =	vst v63  }
0xe7: {  	_ =	swait.ge [sflag:s11], $0x4000  }
0xe8: {  	[sflag:s11] =	ssyncset.done $0x0  }
0xe9: {  	s31 =	rddreg [dreg:$0x4];
	[sflag:s11] =	ssyncadd.s32 $0xFFFFC000  }
0xea: {  	[hbm4b:s31+s2] =	stream.linear.scatter [tilespmem:s8], [sflag:$0x9], $0x4000, $0x38;
	[tilespmem:$0x1C800] =	vst v63  }
0xeb: {  	_ =	swait.ge [sflag:s4], $0x4000  }
0xec: {  	[sflag:s4] =	ssyncset.done $0x0  }
0xed: {  	[sflag:s4] =	ssyncadd.s32 $0xFFFFC000  }
0xee: {  	[tilespmem:s9], [sflag:$0x1] =	stream.indirect.gather [hbm4b:s3+s16], $0x80, s26, s16, $0xb8;
	[tilespmem:$0x1C800] =	vst v63  }
0xef: {  	_ =	swait.ge [sflag:s10], $0x4000  }
0xf0: {  	[sflag:s10] =	ssyncset.done $0x0  }
0xf1: {  	s1 =	rddreg [dreg:$0x5];
	[sflag:s10] =	ssyncadd.s32 $0xFFFFC000  }
0xf2: {  	[hbm4b:s1+s2] =	stream.linear.scatter [tilespmem:s7], [sflag:$0xA], $0x4000, $0x38;
	[tilespmem:$0x1C800] =	vst v63  }
0xf3: {  	_ =	swait.ge [sflag:s5], $0x4000  }
0xf4: {  	[sflag:s5] =	ssyncset.done $0x0  }
0xf5: {  	[sflag:s5] =	ssyncadd.s32 $0xFFFFC000  }
0xf6: {  	[tilespmem:s8], [sflag:$0x2] =	stream.indirect.gather [hbm4b:s3+s16], $0x80, s30, s16, $0xb8;
	[tilespmem:$0x1C800] =	vst v63  }
0xf7: {  	_ =	swait.ge [sflag:s28], $0x4000  }
0xf8: {  	[sflag:s28] =	ssyncset.done $0x0  }
0xf9: {  	s17 =	rddreg [dreg:$0x6];
	[sflag:s28] =	ssyncadd.s32 $0xFFFFC000  }
0xfa: {  	[hbm4b:s17+s2] =	stream.linear.scatter [tilespmem:s22], [sflag:$0xB], $0x4000, $0x38;
	[tilespmem:$0x1C800] =	vst v63  }
0xfb: {  	_ =	swait.ge [sflag:s6], $0x4000  }
0xfc: {  	[sflag:s6] =	ssyncset.done $0x0  }
0xfd: {  	[sflag:s6] =	ssyncadd.s32 $0xFFFFC000  }
0xfe: {  	[tilespmem:s7], [sflag:$0x3] =	stream.indirect.gather [hbm4b:s3+s16], $0x80, s29, s16, $0xb8;
	[tilespmem:$0x1C800] =	vst v63  }
0xff: {  	_ =	swait.ge [sflag:s25], $0x4000  }
0x100: {  	[sflag:s25] =	ssyncset.done $0x0  }
0x101: {  	s22 =	rddreg [dreg:$0x7];
	[sflag:s25] =	ssyncadd.s32 $0xFFFFC000  }
0x102: {  	[hbm4b:s22+s2] =	stream.linear.scatter [tilespmem:s21], [sflag:$0xC], $0x4000, $0x38;
	[tilespmem:$0x1C800] =	vst v63  }
0x103: {  	_ =	swait.ge [sflag:s24], $0x4000  }
0x104: {  	[sflag:s24] =	ssyncset.done $0x0  }
0x105: {  	s25 =	rddreg [dreg:$0x8];
	[sflag:s24] =	ssyncadd.s32 $0xFFFFC000  }
0x106: {  	[hbm4b:s25+s2] =	stream.linear.scatter [tilespmem:s20], [sflag:$0xD], $0x4000, $0x38;
	[tilespmem:$0x1C800] =	vst v63  }
0x107: {  	_ =	swait.ge [sflag:s23], $0x4000  }
0x108: {  	[sflag:s23] =	ssyncset.done $0x0  }
0x109: {  	s26 =	rddreg [dreg:$0x9];
	[sflag:s23] =	ssyncadd.s32 $0xFFFFC000  }
0x10a: {  	[hbm4b:s26+s2] =	stream.linear.scatter [tilespmem:s19], [sflag:$0xE], $0x4000, $0x38;
	[tilespmem:$0x1C800] =	vst v63  }
0x10b: {  	_ =	swait.ge [sflag:s13], $0x4000  }
0x10c: {  	[sflag:s13] =	ssyncset.done $0x0  }
0x10d: {  	s28 =	rddreg [dreg:$0xa];
	[sflag:s13] =	ssyncadd.s32 $0xFFFFC000  }
0x10e: {  	[hbm4b:s28+s2] =	stream.linear.scatter [tilespmem:s9], [sflag:$0x8], $0x4000, $0x38;
	[tilespmem:$0x1C800] =	vst v63  }
0x10f: {  	_ =	swait.ge [sflag:s11], $0x4000  }
0x110: {  	[sflag:s11] =	ssyncset.done $0x0  }
0x111: {  	s29 =	rddreg [dreg:$0xb];
	[sflag:s11] =	ssyncadd.s32 $0xFFFFC000  }
0x112: {  	[hbm4b:s29+s2] =	stream.linear.scatter [tilespmem:s8], [sflag:$0x9], $0x4000, $0x38;
	[tilespmem:$0x1C800] =	vst v63  }
0x113: {  	_ =	swait.ge [sflag:s10], $0x4000  }
0x114: {  	[sflag:s10] =	ssyncset.done $0x0  }
0x115: {  	s30 =	rddreg [dreg:$0xc];
	[sflag:s10] =	ssyncadd.s32 $0xFFFFC000  }
0x116: {  	[hbm4b:s30+s2] =	stream.linear.scatter [tilespmem:s7], [sflag:$0xA], $0x4000, $0x38;
	[tilespmem:$0x1C800] =	vst v63  }
0x117: {  	_ =	swait.ge [sflag:s18], $0x4000  }
0x118: {  	[sflag:s18] =	ssyncset.done $0x0  }
0x119: {  	[sflag:s18] =	ssyncadd.s32 $0xFFFFC000  }
0x11a: {  	_ =	swait.ge [sflag:s15], $0x4000  }
0x11b: {  	[sflag:s15] =	ssyncset.done $0x0  }
0x11c: {  	[sflag:s15] =	ssyncadd.s32 $0xFFFFC000  }
0x11d: {  	_ =	swait.ge [sflag:s14], $0x4000  }
0x11e: {  	[sflag:s14] =	ssyncset.done $0x0  }
0x11f: {  	[sflag:s14] =	ssyncadd.s32 $0xFFFFC000  }
0x120: {  	_ =	swait.ge [sflag:s12], $0x4000  }
0x121: {  	[sflag:s12] =	ssyncset.done $0x0  }
0x122: {  	[sflag:s12] =	ssyncadd.s32 $0xFFFFC000  }
0x123: {  	_ =	swait.ge [sflag:s4], $0x4000  }
0x124: {  	[sflag:s4] =	ssyncset.done $0x0  }
0x125: {  	[sflag:s4] =	ssyncadd.s32 $0xFFFFC000  }
0x126: {  	_ =	swait.ge [sflag:s5], $0x4000  }
0x127: {  	[sflag:s5] =	ssyncset.done $0x0  }
0x128: {  	[sflag:s5] =	ssyncadd.s32 $0xFFFFC000  }
0x129: {  	_ =	swait.ge [sflag:s6], $0x4000  }
0x12a: {  	[sflag:s6] =	ssyncset.done $0x0  }
0x12b: {  	[sflag:s6] =	ssyncadd.s32 $0xFFFFC000  }
0x12c: {  	_ =	sfence.sel $0x180000  }
0x12d: {  	[bflag:$0x0] =	sbarrier.arrive $0xFFFF  }
0x12e: {  	_ =	strace $0x90000047  }
0x12f: {  	s31 =	stileid.u32;
	[bflag:$0x2] =	sbarrier.arrive $0xFFFF  }
0x130: {  	p0 =	sne.s32 s31, $0x0;
	s0 =	rddreg [dreg:$0x2]  }
0x131: {  	s0 =	sadd.s32 @!p0 $0x100000, s0  }
0x132: {  	[sflag:s0] =	ssyncadd.tile.s32 @!p0 $0x1;
	_ =	shalt  }
.LBB2_1:
.Ltmp3:
0x133: {  	(pc) =	sbr.rel .LBB2_6-.Ltmp3, $2  }
0x134: {  	_ =	sdelay $0x2  }
0x135: {  	s26 =	simm.s32 $0x380;
	s30 =	simm.s32 $0x400;
	s29 =	simm.s32 $0x480  }
.LBB2_3:
.Ltmp4:
0x136: {  	(pc) =	sbr.rel .LBB2_6-.Ltmp4, $2  }
0x137: {  	_ =	sdelay $0x2  }
0x138: {  	s26 =	simm.s32 $0x380;
	s30 =	simm.s32 $0x400;
	s29 =	simm.s32 $0x480  }
.Lfunc_end2:
_tile_overlayer_lowered:
.L_overlay_start_2:
0x139: {  	(tag) =	ssettag $0x2  }
0x13a: {  	s0 =	rddreg [dreg:$0x0];
	s2 =	stileid.u32  }
0x13b: {  	s1 =	rddreg [dreg:$0x1];
	p0 =	sne.s32 s2, $0x0  }
0x13c: {  	s3 =	rddreg [dreg:$0x2];
	[bflag:$0x3] =	sbarrier.arrive $0xFFFF;
	s2 =	simm.s32 @!p0 $0x1C0F  }
0x13d: {  	[timem:s3], [sflag:s2] =	dma.local @!p0 [hbm:s0], s1  }
0x13e: {  	s0 =	simm.s32 @!p0 $0xF  }
0x13f: {  	_ =	swait.ge @!p0 [sflag:s0], s1  }
0x140: {  	s1 =	ssub.s32 @!p0 $0x0, s1;
	[sflag:s0] =	ssyncset.done @!p0 $0x0  }
0x141: {  	[sflag:s0] =	ssyncadd.s32 @!p0 s1  }
0x142: {  	[bflag:$0x3] =	sbarrier.arrive $0xFFFF  }
0x143: {  	_ =	shalt  }

// kernel: kernel.9.cloned.1.call-start
scs
__scs_entry_jumppad:
0x0: {  	(pc) =	sbr.rel $0x88, $3  }
0x1: {  	(tag) =	ssettag $0x0;
	lr =	simm.s32 $0x1  }
0x2: {  	[smem:$0x3F9C] =	sst lr;
	_ =	strace $0xD0000000  }
0x3: {  	_ = 	snop  }
0x4: {  	_ = 	snop  }
0x5: {  	_ = 	snop  }
0x6: {  	_ = 	snop  }
0x7: {  	_ = 	snop  }
__scs_overlays_trampoline_lowered:
0x8: {  	[smem:$0x3FAB] =	sst s0  }
0x9: {  	[smem:$0x3FAC] =	sst s1  }
0xa: {  	[smem:$0x3FAD] =	sst s2  }
0xb: {  	[smem:$0x3FAE] =	sst s3  }
0xc: {  	[smem:$0x3FAF] =	sst s4  }
0xd: {  	[smem:$0x3FB0] =	sst s5  }
0xe: {  	[smem:$0x3FB1] =	sst s6  }
0xf: {  	[smem:$0x3FB2] =	sst s7  }
0x10: {  	[smem:$0x3FB3] =	sst s8  }
0x11: {  	[smem:$0x3FB4] =	sst s9;
	s0 =	simm.s32 @!p0 $0x0  }
0x12: {  	s1 =	sld [smem:$0x3F9A];
	s0 =	simm.s32 @p0 $0x1  }
0x13: {  	[smem:$0x3FB5] =	sst s0;
	s0 =	simm.s32 @!p1 $0x0  }
0x14: {  	s2 =	sld [smem:$0x3F99];
	s0 =	simm.s32 @p1 $0x1  }
0x15: {  	[smem:$0x3FB6] =	sst s0;
	s0 =	simm.s32 @!p2 $0x0  }
0x16: {  	s3 =	sld [smem:$0x3FDB];
	s0 =	simm.s32 @p2 $0x1  }
0x17: {  	s4 =	simm.s32 $0x1BF5;
	[smem:$0x3FB8] =	sst s0  }
0x18: {  	s0 =	sld [smem:$0x3F9B];
	_ =	swait.ge [sflag:s4], $0x0  }
0x19: {  	s7 =	sld [smem:$0x3F9C]  }
0x1a: {  	s8 =	sadd.s32 $0xFFFFE003, lr  }
0x1b: {  	s9 =	sadd.s32 $0xFFFFFEF7, lr;
	s5 =	simm.s32 $0xFFFFFFFF;
	p2 =	slt.u32 s8, $0xFFFFF086  }
0x1c: {  	p1 =	slt.u32 s9, $0xF7A;
	s5 =	simm.s32 @!p2 $0x0  }
0x1d: {  	s5 =	simm.s32 @p1 $0x1;
	p0 =	seq.s32 s7, s2  }
0x1e: {  	s7 =	smul.u32 @!p0 $0xF7A, s2;
	p2 =	seq.s32 @!p0 s5, $0x0  }
0x1f: {  	s9 =	smul.u32 $0xF7A, s1;
	s8 =	simm.s32 @!p0 $0x1BF5;
	p2 =	por !p2, p0  }
0x20: {  	[sflag:s8] =	ssyncset.s32 @!p0 $0xFFFFF086;
	s6 =	sadd.s32 @!p0 s3, s7;
	s7 =	simm.s32 @!p0 $0x108  }
0x21: {  	s3 =	sadd.s32 s3, s9;
	s6 =	sadd.s32 @!p0 $0x88, s6;
	s7 =	simm.s32 @p2 $0x1082  }
0x22: {  	[simem:s7], [sflag:s8] =	dma.local @!p0 [hbm:s6], $0xF7A  }
0x23: {  	s9 =	sor.u32 $0xD0000000, s2;
	s6 =	simm.s32 $0x108;
	_ =	swait.ge @!p0 [sflag:s8], $0x0  }
0x24: {  	s3 =	sadd.s32 $0x88, s3;
	s6 =	simm.s32 @!p1 $0x1082;
	[sflag:s4] =	ssyncset.s32 $0xFFFFF086  }
0x25: {  	[simem:s6], [sflag:s4] =	dma.local [hbm:s3], $0xF7A  }
0x26: {  	[smem:$0x3F9C] =	sst s1;
	(tag) =	ssettag s2;
	_ =	strace s9  }
0x27: {  	s1 =	sld [smem:$0x3FAC]  }
0x28: {  	s2 =	sld [smem:$0x3FAD]  }
0x29: {  	s4 =	sld [smem:$0x3FAF]  }
0x2a: {  	p0 =	seq.s32 s5, $0x0;
	s5 =	sld [smem:$0x3FB0]  }
0x2b: {  	s6 =	sld [smem:$0x3FB1]  }
0x2c: {  	s7 =	sld [smem:$0x3FB2]  }
0x2d: {  	s3 =	simm.s32 $0x108;
	s8 =	sld [smem:$0x3FB3]  }
0x2e: {  	s3 =	simm.s32 @!p0 $0x1082;
	s9 =	sld [smem:$0x3FB4]  }
0x2f: {  	lr =	sadd.s32 s0, s3;
	s0 =	sld [smem:$0x3FAB]  }
0x30: {  	s3 =	sld [smem:$0x3FAE]  }
0x31: {  	[smem:$0x3FB7] =	sst s10  }
0x32: {  	s10 =	sld [smem:$0x3FB5];
	_ =	sdelay $0x3  }
0x33: {  	p0 =	seq.s32 s10, $0x1;
	s10 =	sld [smem:$0x3FB7];
	_ =	sdelay $0x3  }
0x34: {  	[smem:$0x3FB7] =	sst s10  }
0x35: {  	s10 =	sld [smem:$0x3FB6];
	_ =	sdelay $0x3  }
0x36: {  	p1 =	seq.s32 s10, $0x1;
	s10 =	sld [smem:$0x3FB7];
	_ =	sdelay $0x3  }
0x37: {  	[smem:$0x3FB7] =	sst s10  }
0x38: {  	s10 =	sld [smem:$0x3FB8]  }
0x39: {  	_ = 	snop;
	(pc) =	sbr.ind lr, $3  }
0x3a: {  	_ = 	snop  }
0x3b: {  	_ = 	snop  }
0x3c: {  	p2 =	seq.s32 s10, $0x1;
	s10 =	sld [smem:$0x3FB7]  }
0x3d: {  	_ =	shalt  }
0x3e: {  	_ =	shalt  }
0x3f: {  	_ =	shalt  }
0x40: {  	_ =	shalt  }
0x41: {  	_ =	shalt  }
0x42: {  	_ =	shalt  }
0x43: {  	_ =	shalt  }
0x44: {  	_ =	shalt  }
0x45: {  	_ =	shalt  }
0x46: {  	_ =	shalt  }
0x47: {  	_ =	shalt  }
0x48: {  	_ =	shalt  }
0x49: {  	_ =	shalt  }
0x4a: {  	_ =	shalt  }
0x4b: {  	_ =	shalt  }
0x4c: {  	_ =	shalt  }
0x4d: {  	_ =	shalt  }
0x4e: {  	_ =	shalt  }
0x4f: {  	_ =	shalt  }
0x50: {  	_ =	shalt  }
0x51: {  	_ =	shalt  }
0x52: {  	_ =	shalt  }
0x53: {  	_ =	shalt  }
0x54: {  	_ =	shalt  }
0x55: {  	_ =	shalt  }
0x56: {  	_ =	shalt  }
0x57: {  	_ =	shalt  }
0x58: {  	_ =	shalt  }
0x59: {  	_ =	shalt  }
0x5a: {  	_ =	shalt  }
0x5b: {  	_ =	shalt  }
0x5c: {  	_ =	shalt  }
0x5d: {  	_ =	shalt  }
0x5e: {  	_ =	shalt  }
0x5f: {  	_ =	shalt  }
0x60: {  	_ =	shalt  }
0x61: {  	_ =	shalt  }
0x62: {  	_ =	shalt  }
0x63: {  	_ =	shalt  }
0x64: {  	_ =	shalt  }
0x65: {  	_ =	shalt  }
0x66: {  	_ =	shalt  }
0x67: {  	_ =	shalt  }
0x68: {  	_ =	shalt  }
0x69: {  	_ =	shalt  }
0x6a: {  	_ =	shalt  }
0x6b: {  	_ =	shalt  }
0x6c: {  	_ =	shalt  }
0x6d: {  	_ =	shalt  }
0x6e: {  	_ =	shalt  }
0x6f: {  	_ =	shalt  }
0x70: {  	_ =	shalt  }
0x71: {  	_ =	shalt  }
0x72: {  	_ =	shalt  }
0x73: {  	_ =	shalt  }
0x74: {  	_ =	shalt  }
0x75: {  	_ =	shalt  }
0x76: {  	_ =	shalt  }
0x77: {  	_ =	shalt  }
0x78: {  	_ =	shalt  }
0x79: {  	_ =	shalt  }
0x7a: {  	_ =	shalt  }
0x7b: {  	_ =	shalt  }
0x7c: {  	_ =	shalt  }
0x7d: {  	_ =	shalt  }
0x7e: {  	_ =	shalt  }
0x7f: {  	_ =	shalt  }
0x80: {  	_ =	shalt  }
0x81: {  	_ =	shalt  }
0x82: {  	_ =	shalt  }
0x83: {  	_ =	shalt  }
0x84: {  	_ =	shalt  }
0x85: {  	_ =	shalt  }
0x86: {  	_ =	shalt  }
0x87: {  	_ =	shalt  }
.Lfunc_end0:
.L_simem_size_0:
called_computation.1_lowered:
.L_overlay_start_0:
0x88: {  	s2 =	sld [smem:$0x3FD9]  }
0x89: {  	s3 =	sld [smem:$0x3FFE];
	_ =	sdelay $0x1  }
0x8a: {  	s1 =	srdreg.scid  }
0x8b: {  	s0 =	sand.u32 $0x1, s1  }
0x8c: {  	s17 =	sshll.u32 s0, $0xA;
	s2 =	sadd.s32 s3, s2  }
0x8d: {  	s2 =	sadd.s32 s2, s17  }
0x8e: {  	[smem:$0x3FC3] =	sst s2  }
0x8f: {  	_ = 	snop  }
0x90: {  	s18 =	sld [smem:$0x3FC7];
	(tm) =	ssettm $0x1  }
0x91: {  	s19 =	sld [smem:$0x3FFB];
	_ =	sdelay $0x3  }
0x92: {  	_ =	strace s19  }
0x93: {  	s2 =	sld [smem:$0x3FFC];
	_ =	sdelay $0x3  }
0x94: {  	_ =	strace s2  }
0x95: {  	s2 =	sld [smem:$0x3FFD];
	_ =	sdelay $0x3  }
0x96: {  	_ =	strace s2  }
0x97: {  	_ =	strace $0x8FFFFFFF  }
0x98: {  	s20 =	sld [smem:$0x3FDB];
	_ =	sdelay $0x1  }
0x99: {  	s4 =	simm.s32 $_scs_section_size  }
0x9a: {  	s5 =	simm.s32 $_size__tile_overlayer_lowered;
	s6 =	simm.s32 $_tile_overlayer_lowered  }
0x9b: {  	s7 =	simm.s32 $0x1BFF;
	s21 =	sshll.u32 s6, $0x1;
	s4 =	sadd.s32 s4, s20  }
0x9c: {  	s22 =	simm.s32 $0x0;
	s5 =	sshll.u32 s5, $0x1;
	s6 =	sadd.s32 s21, s4  }
0x9d: {  	[timem:s22], [sflag:s7] =	dma.local [hbm:s6], s5  }
0x9e: {  	_ =	swait.ge [sflag:s7], s5  }
0x9f: {  	s5 =	ssub.s32 $0x0, s5;
	[sflag:s7] =	ssyncset.done $0x0  }
0xa0: {  	[sflag:s7] =	ssyncadd.s32 s5;
	_ =	sdelay $0x1  }
0xa1: {  	s23 =	simm.s32 $0x1B8B  }
0xa2: {  	_ =	swait.ge [sflag:s23], $0x1  }
0xa3: {  	[sflag:s23] =	ssyncset.done $0x0  }
0xa4: {  	[sflag:s23] =	ssyncadd.s32 $0xFFFFFFFF  }
0xa5: {  	s5 =	sld [smem:$0x0]  }
0xa6: {  	s6 =	sand.u32 $0xFFFFFFFE, s1  }
0xa7: {  	p0 =	sne.s32 s1, s6  }
0xa8: {  	s6 =	sshll.u32 @p0 s6, $0xE  }
0xa9: {  	s6 =	sadd.s32 @p0 $0x11B8D, s6;
	s7 =	sshll.u32 @p0 s5, $0x11  }
0xaa: {  	s6 =	sor.u32 @p0 s7, s6  }
0xab: {  	[sflag:s6] =	ssyncadd.remote.s32 @p0 $0x1;
	_ =	sdelay $0x1  }
0xac: {  	s6 =	simm.s32 @p0 $0x1B8D  }
0xad: {  	_ =	swait.eq @p0 [sflag:s6], $0x1  }
0xae: {  	[sflag:s6] =	ssyncadd.s32 @p0 $0xFFFFFFFF  }
0xaf: {  	s7 =	sshll.u32 @!p0 s1, $0xE  }
0xb0: {  	s7 =	sor.u32 @!p0 $0x4000, s7;
	s6 =	simm.s32 @!p0 $0x1B8D  }
0xb1: {  	s5 =	sshll.u32 @!p0 s5, $0x11;
	s7 =	sadd.s32 @!p0 $0x11B8D, s7;
	_ =	swait.eq @!p0 [sflag:s6], $0x1  }
0xb2: {  	s5 =	sor.u32 @!p0 s5, s7;
	[sflag:s6] =	ssyncadd.s32 @!p0 $0xFFFFFFFF  }
0xb3: {  	s25 =	simm.s32 $0x1B8E;
	s24 =	sld [smem:$0x3FFE];
	[sflag:s5] =	ssyncadd.remote.s32 @!p0 $0x1  }
0xb4: {  	s26 =	simm.s32 $execute0_lowered;
	[smem:$0x3FD2] =	sst s25  }
0xb5: {  	s6 =	sshll.u32 s26, $0x1;
	_ =	strace $0x80000049;
	[dreg:$0x1] =	wrdreg $0xFFFFFFFF  }
0xb6: {  	s28 =	simm.s32 $_size_execute0_lowered;
	s4 =	sadd.s32 s4, s6;
	[dreg:$0x0] =	wrdreg $0x0  }
0xb7: {  	s6 =	sshll.u32 s28, $0x1;
	[dreg:$0x2] =	wrdreg s4  }
0xb8: {  	[dreg:$0x3] =	wrdreg s6  }
0xb9: {  	[dreg:$0x4] =	wrdreg $0xC0  }
0xba: {  	_ =	task [dreg:s22], $0x5FFFF  }
0xbb: {  	[dreg:$0x1] =	wrdreg $0xFFFFFFFF  }
0xbc: {  	[dreg:$0x0] =	wrdreg $0x60  }
0xbd: {  	[dreg:$0x2] =	wrdreg s18  }
0xbe: {  	[dreg:$0x3] =	wrdreg s24  }
0xbf: {  	[dreg:$0x4] =	wrdreg $0xA  }
0xc0: {  	_ =	task.clear_ibuf [dreg:s22], $0x5FFFF;
	_ =	strace $0x90000049  }
0xc1: {  	s29 =	simm.s32 $0xA;
	_ =	strace $0x8000004B  }
0xc2: {  	_ =	swait.ge [sflag:s29], $0x1  }
0xc3: {  	[sflag:s29] =	ssyncadd.s32 $0xFFFFFFFF  }
0xc4: {  	_ =	strace $0x9000004B  }
0xc5: {  	_ =	sfence  }
0xc6: {  	s30 =	sld [smem:$0x0];
	_ =	sdelay $0x2  }
0xc7: {  	s31 =	sshll.u32 s1, $0xD;
	s1 =	sshrl.u32 s1, $0x2  }
0xc8: {  	s4 =	sand.u32 $0x4000, s31;
	s1 =	sadd.s32 s1, s30  }
0xc9: {  	s0 =	sor.u32 s4, s0;
	s1 =	sshll.u32 s1, $0x11  }
0xca: {  	s0 =	sor.u32 s1, s0  }
0xcb: {  	s0 =	sadd.s32 $0x8F2B, s0  }
0xcc: {  	[sflag:s0] =	ssyncadd.remote.s32 $0x1  }
0xcd: {  	_ =	sfence.sel $0xFFFF  }
0xce: {  	[dreg:$0x0] =	wrdreg $0xFFFFFFFF;
	(pc) =	sbr.abs _section_cstart, $3  }
0xcf: {  	[dreg:$0x1] =	wrdreg $0xFFFFFFFF  }
0xd0: {  	_ =	task.clear_ibuf [dreg:s22], $0x2FFFF;
	_ =	strace $0x9FFFFFFF  }
0xd1: {  	(tm) =	ssettm $0x7FFFFFFF  }
tec
execute0_lowered:
.L_overlay_start_1:
0x0: {  	(tag) =	ssettag $0x1  }
0x1: {  	s0 =	srdreg.scid;
	s3 =	rddreg [dreg:$0x0]  }
0x2: {  	s1 =	stileid.u32;
	s4 =	rddreg [dreg:$0x1]  }
0x3: {  	s2 =	simm.s32 $0x0;
	s31 =	simm.s32 $0xF;
	s9 =	simm.s32 $0x800  }
0x4: {  	s22 =	simm.s32 $0x100;
	s8 =	simm.s32 $0x4800;
	s23 =	simm.s32 $0x180  }
0x5: {  	s7 =	simm.s32 $0x8800;
	s24 =	simm.s32 $0x200;
	s25 =	simm.s32 $0x280  }
0x6: {  	s26 =	simm.s32 $0x300;
	s13 =	simm.s32 $0x1;
	s11 =	simm.s32 $0x2  }
0x7: {  	s10 =	simm.s32 $0x3;
	s30 =	simm.s32 $0x400;
	[smem:$0x7FF] =	sst s2  }
0x8: {  	s28 =	simm.s32 $0x4;
	_ =	strace $0x8000004A;
	[dreg:$0xd] =	wrdreg s22  }
0x9: {  	s29 =	simm.s32 $0x480;
	p0 =	por $0x0, $0x0;
	[dreg:$0xe] =	wrdreg s23  }
0xa: {  	s0 =	sand.u32 $0x1, s0;
	s1 =	sshll.u32 s1, $0x1;
	[dreg:$0xf] =	wrdreg s24  }
0xb: {  	s12 =	simm.s32 $0xE;
	s1 =	sor.u32 s0, s1;
	[dreg:$0x10] =	wrdreg s25  }
0xc: {  	s0 =	ssub.s32 $0x2, s0;
	[dreg:$0x11] =	wrdreg s26;
	s5 =	smul.u32 $0x5000, s1  }
0xd: {  	s6 =	sshll.u32 s1, $0x8;
	s1 =	smul.u32 $0x28000, s1;
	s20 =	sshrl.u32 s0, $0x1  }
0xe: {  	s6 =	sadd.s32 s6, s4;
	s4 =	sadd.s32 $0xA5200, s4;
	s0 =	ssub.s32 s0, s20  }
0xf: {  	s6 =	sadd.s32 $0xA3200, s6;
	s17 =	sadd.s32 s4, s5;
	s1 =	sshrl.u32 s1, $0x3  }
0x10: {  	s0 =	smax.u32 s0, $0x1;
	[dreg:$0x3] =	wrdreg s6;
	s5 =	sadd.s32 $0x800, s17  }
0x11: {  	s1 =	sadd.s32 s4, s1;
	p1 =	sne.s32 s0, $0x1;
	[dreg:$0x4] =	wrdreg s5  }
0x12: {  	s26 =	sadd.s32 $0xFFFFFFFF, s0;
	s4 =	sadd.s32 $0x1000, s1;
	s0 =	rddreg [dreg:$0x3]  }
0x13: {  	s22 =	simm.s32 $0xC800;
	s14 =	sadd.s32 $0x1800, s1;
	[dreg:$0x5] =	wrdreg s4  }
0x14: {  	s25 =	simm.s32 $0x5;
	s15 =	sadd.s32 $0x2000, s1;
	[dreg:$0x6] =	wrdreg s14  }
0x15: {  	s24 =	simm.s32 $0x6;
	s16 =	sadd.s32 $0x2800, s1;
	[dreg:$0x7] =	wrdreg s15  }
0x16: {  	s23 =	simm.s32 $0x7;
	s18 =	sadd.s32 $0x3000, s1;
	[dreg:$0x8] =	wrdreg s16  }
0x17: {  	s20 =	simm.s32 $0x14800;
	s19 =	sadd.s32 $0x3800, s1;
	[dreg:$0x9] =	wrdreg s18  }
.Ltmp0:
0x18: {  	s21 =	sadd.s32 $0x4000, s1;
	[dreg:$0xa] =	wrdreg s19;
	(pc) =	sbr.rel @!p1 .LBB2_1-.Ltmp0, $4  }
0x19: {  	s6 =	simm.s32 $0xA;
	s1 =	sadd.s32 $0x4800, s1;
	[dreg:$0xb] =	wrdreg s21  }
0x1a: {  	s5 =	simm.s32 $0x9;
	[dreg:$0xc] =	wrdreg s1;
	s16 =	simm.s32 $0x80  }
0x1b: {  	s21 =	simm.s32 $0x10800;
	s19 =	simm.s32 $0x18800;
	s4 =	simm.s32 $0x8  }
0x1c: {  	s18 =	simm.s32 $0xB;
	s15 =	simm.s32 $0xC;
	s14 =	simm.s32 $0xD  }
0x1d: {  	[tilespmem:s2], [sflag:$0xF] =	stream.linear.gather [hbm4b:s0+s2], $0x500, $0x38;
	[tilespmem:$0x1C800] =	vst v63  }
0x1e: {  	_ =	swait.ge [sflag:s31], $0x500  }
0x1f: {  	[sflag:s31] =	ssyncset.done $0x0  }
0x20: {  	[sflag:s31] =	ssyncadd.s32 $0xFFFFFB00  }
0x21: {  	[tilespmem:s9], [sflag:$0x1] =	stream.indirect.gather [hbm4b:s3+s16], $0x80, s2, s16, $0xb8;
	[tilespmem:$0x1C800] =	vst v63  }
0x22: {  	_ = 	snop  }
0x23: {  	[tilespmem:s8], [sflag:$0x2] =	stream.indirect.gather [hbm4b:s3+s16], $0x80, s16, s16, $0xb8;
	[tilespmem:$0x1C800] =	vst v63  }
0x24: {  	s0 =	rddreg [dreg:$0xd]  }
0x25: {  	[tilespmem:s7], [sflag:$0x3] =	stream.indirect.gather [hbm4b:s3+s16], $0x80, s0, s16, $0xb8;
	[tilespmem:$0x1C800] =	vst v63  }
0x26: {  	s1 =	rddreg [dreg:$0xe]  }
0x27: {  	[tilespmem:s22], [sflag:$0x4] =	stream.indirect.gather [hbm4b:s3+s16], $0x80, s1, s16, $0xb8;
	[tilespmem:$0x1C800] =	vst v63  }
0x28: {  	s0 =	rddreg [dreg:$0xf]  }
0x29: {  	[tilespmem:s21], [sflag:$0x5] =	stream.indirect.gather [hbm4b:s3+s16], $0x80, s0, s16, $0xb8;
	[tilespmem:$0x1C800] =	vst v63  }
0x2a: {  	s1 =	rddreg [dreg:$0x10]  }
0x2b: {  	[tilespmem:s20], [sflag:$0x6] =	stream.indirect.gather [hbm4b:s3+s16], $0x80, s1, s16, $0xb8;
	[tilespmem:$0x1C800] =	vst v63  }
0x2c: {  	_ =	swait.ge [sflag:s13], $0x4000  }
0x2d: {  	[sflag:s13] =	ssyncset.done $0x0  }
0x2e: {  	[sflag:s13] =	ssyncadd.s32 $0xFFFFC000  }
0x2f: {  	[hbm4b:s17+s2] =	stream.linear.scatter [tilespmem:s9], [sflag:$0x8], $0x4000, $0x38;
	[tilespmem:$0x1C800] =	vst v63  }
0x30: {  	s1 =	rddreg [dreg:$0x11]  }
0x31: {  	[tilespmem:s19], [sflag:$0x7] =	stream.indirect.gather [hbm4b:s3+s16], $0x80, s1, s16, $0xb8;
	[tilespmem:$0x1C800] =	vst v63  }
0x32: {  	_ =	swait.ge [sflag:s11], $0x4000  }
0x33: {  	[sflag:s11] =	ssyncset.done $0x0  }
0x34: {  	s1 =	rddreg [dreg:$0x4];
	[sflag:s11] =	ssyncadd.s32 $0xFFFFC000  }
0x35: {  	[hbm4b:s1+s2] =	stream.linear.scatter [tilespmem:s8], [sflag:$0x9], $0x4000, $0x38;
	[tilespmem:$0x1C800] =	vst v63  }
0x36: {  	_ =	swait.ge [sflag:s4], $0x4000  }
0x37: {  	[sflag:s4] =	ssyncset.done $0x0  }
0x38: {  	s1 =	simm.s32 $0x380;
	[sflag:s4] =	ssyncadd.s32 $0xFFFFC000  }
0x39: {  	[tilespmem:s9], [sflag:$0x1] =	stream.indirect.gather [hbm4b:s3+s16], $0x80, s1, s16, $0xb8;
	[tilespmem:$0x1C800] =	vst v63  }
0x3a: {  	_ =	swait.ge [sflag:s10], $0x4000  }
0x3b: {  	[sflag:s10] =	ssyncset.done $0x0  }
0x3c: {  	s1 =	rddreg [dreg:$0x5];
	[sflag:s10] =	ssyncadd.s32 $0xFFFFC000  }
0x3d: {  	[hbm4b:s1+s2] =	stream.linear.scatter [tilespmem:s7], [sflag:$0xA], $0x4000, $0x38;
	[tilespmem:$0x1C800] =	vst v63  }
0x3e: {  	_ =	swait.ge [sflag:s5], $0x4000  }
0x3f: {  	[sflag:s5] =	ssyncset.done $0x0  }
0x40: {  	[sflag:s5] =	ssyncadd.s32 $0xFFFFC000  }
0x41: {  	[tilespmem:s8], [sflag:$0x2] =	stream.indirect.gather [hbm4b:s3+s16], $0x80, s30, s16, $0xb8;
	[tilespmem:$0x1C800] =	vst v63  }
0x42: {  	_ =	swait.ge [sflag:s28], $0x4000  }
0x43: {  	[sflag:s28] =	ssyncset.done $0x0  }
0x44: {  	s1 =	rddreg [dreg:$0x6];
	[sflag:s28] =	ssyncadd.s32 $0xFFFFC000  }
0x45: {  	[hbm4b:s1+s2] =	stream.linear.scatter [tilespmem:s22], [sflag:$0xB], $0x4000, $0x38;
	[tilespmem:$0x1C800] =	vst v63  }
0x46: {  	_ =	swait.ge [sflag:s6], $0x4000  }
0x47: {  	[sflag:s6] =	ssyncset.done $0x0  }
0x48: {  	[sflag:s6] =	ssyncadd.s32 $0xFFFFC000  }
0x49: {  	[tilespmem:s7], [sflag:$0x3] =	stream.indirect.gather [hbm4b:s3+s16], $0x80, s29, s16, $0xb8;
	[tilespmem:$0x1C800] =	vst v63  }
0x4a: {  	_ =	swait.ge [sflag:s25], $0x4000  }
0x4b: {  	[sflag:s25] =	ssyncset.done $0x0  }
0x4c: {  	s1 =	rddreg [dreg:$0x7];
	[sflag:s25] =	ssyncadd.s32 $0xFFFFC000  }
0x4d: {  	[hbm4b:s1+s2] =	stream.linear.scatter [tilespmem:s21], [sflag:$0xC], $0x4000, $0x38;
	[tilespmem:$0x1C800] =	vst v63  }
0x4e: {  	_ =	swait.ge [sflag:s24], $0x4000  }
0x4f: {  	[sflag:s24] =	ssyncset.done $0x0  }
0x50: {  	s1 =	rddreg [dreg:$0x8];
	[sflag:s24] =	ssyncadd.s32 $0xFFFFC000  }
0x51: {  	[hbm4b:s1+s2] =	stream.linear.scatter [tilespmem:s20], [sflag:$0xD], $0x4000, $0x38;
	[tilespmem:$0x1C800] =	vst v63  }
0x52: {  	_ =	swait.ge [sflag:s23], $0x4000  }
0x53: {  	[sflag:s23] =	ssyncset.done $0x0  }
0x54: {  	s1 =	rddreg [dreg:$0x9];
	[sflag:s23] =	ssyncadd.s32 $0xFFFFC000  }
0x55: {  	[hbm4b:s1+s2] =	stream.linear.scatter [tilespmem:s19], [sflag:$0xE], $0x4000, $0x38;
	[tilespmem:$0x1C800] =	vst v63  }
0x56: {  	_ =	swait.ge [sflag:s13], $0x4000  }
0x57: {  	[sflag:s13] =	ssyncset.done $0x0  }
0x58: {  	s1 =	rddreg [dreg:$0xa];
	[sflag:s13] =	ssyncadd.s32 $0xFFFFC000  }
0x59: {  	[hbm4b:s1+s2] =	stream.linear.scatter [tilespmem:s9], [sflag:$0x8], $0x4000, $0x38;
	[tilespmem:$0x1C800] =	vst v63  }
0x5a: {  	_ =	swait.ge [sflag:s11], $0x4000  }
0x5b: {  	[sflag:s11] =	ssyncset.done $0x0  }
0x5c: {  	s1 =	rddreg [dreg:$0xb];
	[sflag:s11] =	ssyncadd.s32 $0xFFFFC000  }
0x5d: {  	[hbm4b:s1+s2] =	stream.linear.scatter [tilespmem:s8], [sflag:$0x9], $0x4000, $0x38;
	[tilespmem:$0x1C800] =	vst v63  }
0x5e: {  	_ =	swait.ge [sflag:s10], $0x4000  }
0x5f: {  	[sflag:s10] =	ssyncset.done $0x0  }
0x60: {  	s1 =	rddreg [dreg:$0xc];
	[sflag:s10] =	ssyncadd.s32 $0xFFFFC000  }
0x61: {  	[hbm4b:s1+s2] =	stream.linear.scatter [tilespmem:s7], [sflag:$0xA], $0x4000, $0x38;
	[tilespmem:$0x1C800] =	vst v63  }
0x62: {  	_ =	swait.ge [sflag:s18], $0x4000  }
0x63: {  	[sflag:s18] =	ssyncset.done $0x0  }
0x64: {  	[sflag:s18] =	ssyncadd.s32 $0xFFFFC000  }
0x65: {  	_ =	swait.ge [sflag:s15], $0x4000  }
0x66: {  	[sflag:s15] =	ssyncset.done $0x0  }
0x67: {  	[sflag:s15] =	ssyncadd.s32 $0xFFFFC000  }
0x68: {  	_ =	swait.ge [sflag:s14], $0x4000  }
0x69: {  	[sflag:s14] =	ssyncset.done $0x0  }
0x6a: {  	[sflag:s14] =	ssyncadd.s32 $0xFFFFC000  }
0x6b: {  	_ =	swait.ge [sflag:s12], $0x4000  }
0x6c: {  	[sflag:s12] =	ssyncset.done $0x0  }
0x6d: {  	[sflag:s12] =	ssyncadd.s32 $0xFFFFC000  }
0x6e: {  	_ =	swait.ge [sflag:s4], $0x4000  }
0x6f: {  	[sflag:s4] =	ssyncset.done $0x0  }
0x70: {  	p1 =	sne.s32 s26, $0x1;
	[sflag:s4] =	ssyncadd.s32 $0xFFFFC000  }
.Ltmp1:
0x71: {  	_ =	swait.ge [sflag:s5], $0x4000;
	(pc) =	sbr.rel @!p1 .LBB2_3-.Ltmp1, $4  }
0x72: {  	[sflag:s5] =	ssyncset.done $0x0  }
0x73: {  	[sflag:s5] =	ssyncadd.s32 $0xFFFFC000  }
0x74: {  	p0 =	por $0x1, $0x1;
	_ =	swait.ge [sflag:s6], $0x4000  }
0x75: {  	s1 =	sadd.s32 $0xFFFFFFFF, s26;
	s0 =	rddreg [dreg:$0x3];
	[sflag:s6] =	ssyncset.done $0x0  }
.LBB2_4:
0x76: {  	[sflag:s6] =	ssyncadd.s32 $0xFFFFC000  }
0x77: {  	[tilespmem:s2], [sflag:$0xF] =	stream.linear.gather [hbm4b:s0+s2], $0x500, $0x38;
	[tilespmem:$0x1C800] =	vst v63  }
0x78: {  	_ =	swait.ge [sflag:s31], $0x500  }
0x79: {  	[sflag:s31] =	ssyncset.done $0x0  }
0x7a: {  	[sflag:s31] =	ssyncadd.s32 $0xFFFFFB00  }
0x7b: {  	[tilespmem:s9], [sflag:$0x1] =	stream.indirect.gather [hbm4b:s3+s16], $0x80, s2, s16, $0xb8;
	[tilespmem:$0x1C800] =	vst v63  }
0x7c: {  	_ = 	snop  }
0x7d: {  	[tilespmem:s8], [sflag:$0x2] =	stream.indirect.gather [hbm4b:s3+s16], $0x80, s16, s16, $0xb8;
	[tilespmem:$0x1C800] =	vst v63  }
0x7e: {  	s0 =	rddreg [dreg:$0xd]  }
0x7f: {  	[tilespmem:s7], [sflag:$0x3] =	stream.indirect.gather [hbm4b:s3+s16], $0x80, s0, s16, $0xb8;
	[tilespmem:$0x1C800] =	vst v63  }
0x80: {  	s26 =	rddreg [dreg:$0xe]  }
0x81: {  	[tilespmem:s22], [sflag:$0x4] =	stream.indirect.gather [hbm4b:s3+s16], $0x80, s26, s16, $0xb8;
	[tilespmem:$0x1C800] =	vst v63  }
0x82: {  	s0 =	rddreg [dreg:$0xf]  }
0x83: {  	[tilespmem:s21], [sflag:$0x5] =	stream.indirect.gather [hbm4b:s3+s16], $0x80, s0, s16, $0xb8;
	[tilespmem:$0x1C800] =	vst v63  }
0x84: {  	s26 =	rddreg [dreg:$0x10]  }
0x85: {  	[tilespmem:s20], [sflag:$0x6] =	stream.indirect.gather [hbm4b:s3+s16], $0x80, s26, s16, $0xb8;
	[tilespmem:$0x1C800] =	vst v63  }
0x86: {  	_ =	swait.ge [sflag:s13], $0x4000  }
0x87: {  	[sflag:s13] =	ssyncset.done $0x0  }
0x88: {  	[sflag:s13] =	ssyncadd.s32 $0xFFFFC000  }
0x89: {  	[hbm4b:s17+s2] =	stream.linear.scatter [tilespmem:s9], [sflag:$0x8], $0x4000, $0x38;
	[tilespmem:$0x1C800] =	vst v63  }
0x8a: {  	s26 =	rddreg [dreg:$0x11]  }
0x8b: {  	[tilespmem:s19], [sflag:$0x7] =	stream.indirect.gather [hbm4b:s3+s16], $0x80, s26, s16, $0xb8;
	[tilespmem:$0x1C800] =	vst v63  }
0x8c: {  	_ =	swait.ge [sflag:s11], $0x4000  }
0x8d: {  	[sflag:s11] =	ssyncset.done $0x0  }
0x8e: {  	s26 =	rddreg [dreg:$0x4];
	[sflag:s11] =	ssyncadd.s32 $0xFFFFC000  }
0x8f: {  	[hbm4b:s26+s2] =	stream.linear.scatter [tilespmem:s8], [sflag:$0x9], $0x4000, $0x38;
	[tilespmem:$0x1C800] =	vst v63  }
0x90: {  	_ =	swait.ge [sflag:s4], $0x4000  }
0x91: {  	[sflag:s4] =	ssyncset.done $0x0  }
0x92: {  	s26 =	simm.s32 $0x380;
	[sflag:s4] =	ssyncadd.s32 $0xFFFFC000  }
0x93: {  	[tilespmem:s9], [sflag:$0x1] =	stream.indirect.gather [hbm4b:s3+s16], $0x80, s26, s16, $0xb8;
	[tilespmem:$0x1C800] =	vst v63  }
0x94: {  	_ =	swait.ge [sflag:s10], $0x4000  }
0x95: {  	[sflag:s10] =	ssyncset.done $0x0  }
0x96: {  	s26 =	rddreg [dreg:$0x5];
	[sflag:s10] =	ssyncadd.s32 $0xFFFFC000  }
0x97: {  	[hbm4b:s26+s2] =	stream.linear.scatter [tilespmem:s7], [sflag:$0xA], $0x4000, $0x38;
	[tilespmem:$0x1C800] =	vst v63  }
0x98: {  	_ =	swait.ge [sflag:s5], $0x4000  }
0x99: {  	[sflag:s5] =	ssyncset.done $0x0  }
0x9a: {  	[sflag:s5] =	ssyncadd.s32 $0xFFFFC000  }
0x9b: {  	[tilespmem:s8], [sflag:$0x2] =	stream.indirect.gather [hbm4b:s3+s16], $0x80, s30, s16, $0xb8;
	[tilespmem:$0x1C800] =	vst v63  }
0x9c: {  	_ =	swait.ge [sflag:s28], $0x4000  }
0x9d: {  	[sflag:s28] =	ssyncset.done $0x0  }
0x9e: {  	s26 =	rddreg [dreg:$0x6];
	[sflag:s28] =	ssyncadd.s32 $0xFFFFC000  }
0x9f: {  	[hbm4b:s26+s2] =	stream.linear.scatter [tilespmem:s22], [sflag:$0xB], $0x4000, $0x38;
	[tilespmem:$0x1C800] =	vst v63  }
0xa0: {  	_ =	swait.ge [sflag:s6], $0x4000  }
0xa1: {  	[sflag:s6] =	ssyncset.done $0x0  }
0xa2: {  	[sflag:s6] =	ssyncadd.s32 $0xFFFFC000  }
0xa3: {  	[tilespmem:s7], [sflag:$0x3] =	stream.indirect.gather [hbm4b:s3+s16], $0x80, s29, s16, $0xb8;
	[tilespmem:$0x1C800] =	vst v63  }
0xa4: {  	_ =	swait.ge [sflag:s25], $0x4000  }
0xa5: {  	[sflag:s25] =	ssyncset.done $0x0  }
0xa6: {  	s26 =	rddreg [dreg:$0x7];
	[sflag:s25] =	ssyncadd.s32 $0xFFFFC000  }
0xa7: {  	[hbm4b:s26+s2] =	stream.linear.scatter [tilespmem:s21], [sflag:$0xC], $0x4000, $0x38;
	[tilespmem:$0x1C800] =	vst v63  }
0xa8: {  	_ =	swait.ge [sflag:s24], $0x4000  }
0xa9: {  	[sflag:s24] =	ssyncset.done $0x0  }
0xaa: {  	s26 =	rddreg [dreg:$0x8];
	[sflag:s24] =	ssyncadd.s32 $0xFFFFC000  }
0xab: {  	[hbm4b:s26+s2] =	stream.linear.scatter [tilespmem:s20], [sflag:$0xD], $0x4000, $0x38;
	[tilespmem:$0x1C800] =	vst v63  }
0xac: {  	_ =	swait.ge [sflag:s23], $0x4000  }
0xad: {  	[sflag:s23] =	ssyncset.done $0x0  }
0xae: {  	s26 =	rddreg [dreg:$0x9];
	[sflag:s23] =	ssyncadd.s32 $0xFFFFC000  }
0xaf: {  	[hbm4b:s26+s2] =	stream.linear.scatter [tilespmem:s19], [sflag:$0xE], $0x4000, $0x38;
	[tilespmem:$0x1C800] =	vst v63  }
0xb0: {  	_ =	swait.ge [sflag:s13], $0x4000  }
0xb1: {  	[sflag:s13] =	ssyncset.done $0x0  }
0xb2: {  	s26 =	rddreg [dreg:$0xa];
	[sflag:s13] =	ssyncadd.s32 $0xFFFFC000  }
0xb3: {  	[hbm4b:s26+s2] =	stream.linear.scatter [tilespmem:s9], [sflag:$0x8], $0x4000, $0x38;
	[tilespmem:$0x1C800] =	vst v63  }
0xb4: {  	_ =	swait.ge [sflag:s11], $0x4000  }
0xb5: {  	[sflag:s11] =	ssyncset.done $0x0  }
0xb6: {  	s26 =	rddreg [dreg:$0xb];
	[sflag:s11] =	ssyncadd.s32 $0xFFFFC000  }
0xb7: {  	[hbm4b:s26+s2] =	stream.linear.scatter [tilespmem:s8], [sflag:$0x9], $0x4000, $0x38;
	[tilespmem:$0x1C800] =	vst v63  }
0xb8: {  	_ =	swait.ge [sflag:s10], $0x4000  }
0xb9: {  	[sflag:s10] =	ssyncset.done $0x0  }
0xba: {  	s26 =	rddreg [dreg:$0xc];
	[sflag:s10] =	ssyncadd.s32 $0xFFFFC000  }
0xbb: {  	[hbm4b:s26+s2] =	stream.linear.scatter [tilespmem:s7], [sflag:$0xA], $0x4000, $0x38;
	[tilespmem:$0x1C800] =	vst v63  }
0xbc: {  	_ =	swait.ge [sflag:s18], $0x4000  }
0xbd: {  	[sflag:s18] =	ssyncset.done $0x0  }
0xbe: {  	[sflag:s18] =	ssyncadd.s32 $0xFFFFC000  }
0xbf: {  	_ =	swait.ge [sflag:s15], $0x4000  }
0xc0: {  	[sflag:s15] =	ssyncset.done $0x0  }
0xc1: {  	[sflag:s15] =	ssyncadd.s32 $0xFFFFC000  }
0xc2: {  	_ =	swait.ge [sflag:s14], $0x4000  }
0xc3: {  	[sflag:s14] =	ssyncset.done $0x0  }
0xc4: {  	[sflag:s14] =	ssyncadd.s32 $0xFFFFC000  }
0xc5: {  	_ =	swait.ge [sflag:s12], $0x4000  }
0xc6: {  	[sflag:s12] =	ssyncset.done $0x0  }
0xc7: {  	[sflag:s12] =	ssyncadd.s32 $0xFFFFC000  }
0xc8: {  	_ =	swait.ge [sflag:s4], $0x4000  }
0xc9: {  	[sflag:s4] =	ssyncset.done $0x0  }
0xca: {  	p1 =	sne.s32 s1, $0x1;
	[sflag:s4] =	ssyncadd.s32 $0xFFFFC000  }
.Ltmp2:
0xcb: {  	_ =	swait.ge [sflag:s5], $0x4000;
	(pc) =	sbr.rel @p1 .LBB2_4-.Ltmp2, $4  }
0xcc: {  	[sflag:s5] =	ssyncset.done $0x0  }
0xcd: {  	[sflag:s5] =	ssyncadd.s32 $0xFFFFC000  }
0xce: {  	_ =	swait.ge [sflag:s6], $0x4000  }
0xcf: {  	s1 =	sadd.s32 $0xFFFFFFFF, s1;
	s0 =	rddreg [dreg:$0x3];
	[sflag:s6] =	ssyncset.done $0x0  }
0xd0: {  	s26 =	simm.s32 $0x380;
	s30 =	simm.s32 $0x400;
	s29 =	simm.s32 $0x480  }
.LBB2_6:
0xd1: {  	[sflag:s6] =	ssyncadd.s32 @p0 $0xFFFFC000  }
0xd2: {  	[tilespmem:s2], [sflag:$0xF] =	stream.linear.gather [hbm4b:s0+s2], $0x500, $0x38;
	[tilespmem:$0x1C800] =	vst v63  }
0xd3: {  	_ =	swait.ge [sflag:s31], $0x500  }
0xd4: {  	[sflag:s31] =	ssyncset.done $0x0  }
0xd5: {  	[sflag:s31] =	ssyncadd.s32 $0xFFFFFB00  }
0xd6: {  	[tilespmem:s9], [sflag:$0x1] =	stream.indirect.gather [hbm4b:s3+s16], $0x80, s2, s16, $0xb8;
	[tilespmem:$0x1C800] =	vst v63  }
0xd7: {  	_ = 	snop  }
0xd8: {  	[tilespmem:s8], [sflag:$0x2] =	stream.indirect.gather [hbm4b:s3+s16], $0x80, s16, s16, $0xb8;
	[tilespmem:$0x1C800] =	vst v63  }
0xd9: {  	s31 =	rddreg [dreg:$0xd]  }
0xda: {  	[tilespmem:s7], [sflag:$0x3] =	stream.indirect.gather [hbm4b:s3+s16], $0x80, s31, s16, $0xb8;
	[tilespmem:$0x1C800] =	vst v63  }
0xdb: {  	s1 =	rddreg [dreg:$0xe]  }
0xdc: {  	[tilespmem:s22], [sflag:$0x4] =	stream.indirect.gather [hbm4b:s3+s16], $0x80, s1, s16, $0xb8;
	[tilespmem:$0x1C800] =	vst v63  }
0xdd: {  	s0 =	rddreg [dreg:$0xf]  }
0xde: {  	[tilespmem:s21], [sflag:$0x5] =	stream.indirect.gather [hbm4b:s3+s16], $0x80, s0, s16, $0xb8;
	[tilespmem:$0x1C800] =	vst v63  }
0xdf: {  	s31 =	rddreg [dreg:$0x10]  }
0xe0: {  	[tilespmem:s20], [sflag:$0x6] =	stream.indirect.gather [hbm4b:s3+s16], $0x80, s31, s16, $0xb8;
	[tilespmem:$0x1C800] =	vst v63  }
0xe1: {  	_ =	swait.ge [sflag:s13], $0x4000  }
0xe2: {  	[sflag:s13] =	ssyncset.done $0x0  }
0xe3: {  	[sflag:s13] =	ssyncadd.s32 $0xFFFFC000  }
0xe4: {  	[hbm4b:s17+s2] =	stream.linear.scatter [tilespmem:s9], [sflag:$0x8], $0x4000, $0x38;
	[tilespmem:$0x1C800] =	vst v63  }
0xe5: {  	s1 =	rddreg [dreg:$0x11]  }
0xe6: {  	[tilespmem:s19], [sflag:$0x7] =	stream.indirect.gather [hbm4b:s3+s16], $0x80, s1, s16, $0xb8;
	[tilespmem:$0x1C800] =	vst v63  }
0xe7: {  	_ =	swait.ge [sflag:s11], $0x4000  }
0xe8: {  	[sflag:s11] =	ssyncset.done $0x0  }
0xe9: {  	s31 =	rddreg [dreg:$0x4];
	[sflag:s11] =	ssyncadd.s32 $0xFFFFC000  }
0xea: {  	[hbm4b:s31+s2] =	stream.linear.scatter [tilespmem:s8], [sflag:$0x9], $0x4000, $0x38;
	[tilespmem:$0x1C800] =	vst v63  }
0xeb: {  	_ =	swait.ge [sflag:s4], $0x4000  }
0xec: {  	[sflag:s4] =	ssyncset.done $0x0  }
0xed: {  	[sflag:s4] =	ssyncadd.s32 $0xFFFFC000  }
0xee: {  	[tilespmem:s9], [sflag:$0x1] =	stream.indirect.gather [hbm4b:s3+s16], $0x80, s26, s16, $0xb8;
	[tilespmem:$0x1C800] =	vst v63  }
0xef: {  	_ =	swait.ge [sflag:s10], $0x4000  }
0xf0: {  	[sflag:s10] =	ssyncset.done $0x0  }
0xf1: {  	s1 =	rddreg [dreg:$0x5];
	[sflag:s10] =	ssyncadd.s32 $0xFFFFC000  }
0xf2: {  	[hbm4b:s1+s2] =	stream.linear.scatter [tilespmem:s7], [sflag:$0xA], $0x4000, $0x38;
	[tilespmem:$0x1C800] =	vst v63  }
0xf3: {  	_ =	swait.ge [sflag:s5], $0x4000  }
0xf4: {  	[sflag:s5] =	ssyncset.done $0x0  }
0xf5: {  	[sflag:s5] =	ssyncadd.s32 $0xFFFFC000  }
0xf6: {  	[tilespmem:s8], [sflag:$0x2] =	stream.indirect.gather [hbm4b:s3+s16], $0x80, s30, s16, $0xb8;
	[tilespmem:$0x1C800] =	vst v63  }
0xf7: {  	_ =	swait.ge [sflag:s28], $0x4000  }
0xf8: {  	[sflag:s28] =	ssyncset.done $0x0  }
0xf9: {  	s17 =	rddreg [dreg:$0x6];
	[sflag:s28] =	ssyncadd.s32 $0xFFFFC000  }
0xfa: {  	[hbm4b:s17+s2] =	stream.linear.scatter [tilespmem:s22], [sflag:$0xB], $0x4000, $0x38;
	[tilespmem:$0x1C800] =	vst v63  }
0xfb: {  	_ =	swait.ge [sflag:s6], $0x4000  }
0xfc: {  	[sflag:s6] =	ssyncset.done $0x0  }
0xfd: {  	[sflag:s6] =	ssyncadd.s32 $0xFFFFC000  }
0xfe: {  	[tilespmem:s7], [sflag:$0x3] =	stream.indirect.gather [hbm4b:s3+s16], $0x80, s29, s16, $0xb8;
	[tilespmem:$0x1C800] =	vst v63  }
0xff: {  	_ =	swait.ge [sflag:s25], $0x4000  }
0x100: {  	[sflag:s25] =	ssyncset.done $0x0  }
0x101: {  	s22 =	rddreg [dreg:$0x7];
	[sflag:s25] =	ssyncadd.s32 $0xFFFFC000  }
0x102: {  	[hbm4b:s22+s2] =	stream.linear.scatter [tilespmem:s21], [sflag:$0xC], $0x4000, $0x38;
	[tilespmem:$0x1C800] =	vst v63  }
0x103: {  	_ =	swait.ge [sflag:s24], $0x4000  }
0x104: {  	[sflag:s24] =	ssyncset.done $0x0  }
0x105: {  	s25 =	rddreg [dreg:$0x8];
	[sflag:s24] =	ssyncadd.s32 $0xFFFFC000  }
0x106: {  	[hbm4b:s25+s2] =	stream.linear.scatter [tilespmem:s20], [sflag:$0xD], $0x4000, $0x38;
	[tilespmem:$0x1C800] =	vst v63  }
0x107: {  	_ =	swait.ge [sflag:s23], $0x4000  }
0x108: {  	[sflag:s23] =	ssyncset.done $0x0  }
0x109: {  	s26 =	rddreg [dreg:$0x9];
	[sflag:s23] =	ssyncadd.s32 $0xFFFFC000  }
0x10a: {  	[hbm4b:s26+s2] =	stream.linear.scatter [tilespmem:s19], [sflag:$0xE], $0x4000, $0x38;
	[tilespmem:$0x1C800] =	vst v63  }
0x10b: {  	_ =	swait.ge [sflag:s13], $0x4000  }
0x10c: {  	[sflag:s13] =	ssyncset.done $0x0  }
0x10d: {  	s28 =	rddreg [dreg:$0xa];
	[sflag:s13] =	ssyncadd.s32 $0xFFFFC000  }
0x10e: {  	[hbm4b:s28+s2] =	stream.linear.scatter [tilespmem:s9], [sflag:$0x8], $0x4000, $0x38;
	[tilespmem:$0x1C800] =	vst v63  }
0x10f: {  	_ =	swait.ge [sflag:s11], $0x4000  }
0x110: {  	[sflag:s11] =	ssyncset.done $0x0  }
0x111: {  	s29 =	rddreg [dreg:$0xb];
	[sflag:s11] =	ssyncadd.s32 $0xFFFFC000  }
0x112: {  	[hbm4b:s29+s2] =	stream.linear.scatter [tilespmem:s8], [sflag:$0x9], $0x4000, $0x38;
	[tilespmem:$0x1C800] =	vst v63  }
0x113: {  	_ =	swait.ge [sflag:s10], $0x4000  }
0x114: {  	[sflag:s10] =	ssyncset.done $0x0  }
0x115: {  	s30 =	rddreg [dreg:$0xc];
	[sflag:s10] =	ssyncadd.s32 $0xFFFFC000  }
0x116: {  	[hbm4b:s30+s2] =	stream.linear.scatter [tilespmem:s7], [sflag:$0xA], $0x4000, $0x38;
	[tilespmem:$0x1C800] =	vst v63  }
0x117: {  	_ =	swait.ge [sflag:s18], $0x4000  }
0x118: {  	[sflag:s18] =	ssyncset.done $0x0  }
0x119: {  	[sflag:s18] =	ssyncadd.s32 $0xFFFFC000  }
0x11a: {  	_ =	swait.ge [sflag:s15], $0x4000  }
0x11b: {  	[sflag:s15] =	ssyncset.done $0x0  }
0x11c: {  	[sflag:s15] =	ssyncadd.s32 $0xFFFFC000  }
0x11d: {  	_ =	swait.ge [sflag:s14], $0x4000  }
0x11e: {  	[sflag:s14] =	ssyncset.done $0x0  }
0x11f: {  	[sflag:s14] =	ssyncadd.s32 $0xFFFFC000  }
0x120: {  	_ =	swait.ge [sflag:s12], $0x4000  }
0x121: {  	[sflag:s12] =	ssyncset.done $0x0  }
0x122: {  	[sflag:s12] =	ssyncadd.s32 $0xFFFFC000  }
0x123: {  	_ =	swait.ge [sflag:s4], $0x4000  }
0x124: {  	[sflag:s4] =	ssyncset.done $0x0  }
0x125: {  	[sflag:s4] =	ssyncadd.s32 $0xFFFFC000  }
0x126: {  	_ =	swait.ge [sflag:s5], $0x4000  }
0x127: {  	[sflag:s5] =	ssyncset.done $0x0  }
0x128: {  	[sflag:s5] =	ssyncadd.s32 $0xFFFFC000  }
0x129: {  	_ =	swait.ge [sflag:s6], $0x4000  }
0x12a: {  	[sflag:s6] =	ssyncset.done $0x0  }
0x12b: {  	[sflag:s6] =	ssyncadd.s32 $0xFFFFC000  }
0x12c: {  	_ =	sfence.sel $0x180000  }
0x12d: {  	[bflag:$0x0] =	sbarrier.arrive $0xFFFF  }
0x12e: {  	_ =	strace $0x9000004A  }
0x12f: {  	s31 =	stileid.u32;
	[bflag:$0x2] =	sbarrier.arrive $0xFFFF  }
0x130: {  	p0 =	sne.s32 s31, $0x0;
	s0 =	rddreg [dreg:$0x2]  }
0x131: {  	s0 =	sadd.s32 @!p0 $0x100000, s0  }
0x132: {  	[sflag:s0] =	ssyncadd.tile.s32 @!p0 $0x1;
	_ =	shalt  }
.LBB2_1:
.Ltmp3:
0x133: {  	(pc) =	sbr.rel .LBB2_6-.Ltmp3, $2  }
0x134: {  	_ =	sdelay $0x2  }
0x135: {  	s26 =	simm.s32 $0x380;
	s30 =	simm.s32 $0x400;
	s29 =	simm.s32 $0x480  }
.LBB2_3:
.Ltmp4:
0x136: {  	(pc) =	sbr.rel .LBB2_6-.Ltmp4, $2  }
0x137: {  	_ =	sdelay $0x2  }
0x138: {  	s26 =	simm.s32 $0x380;
	s30 =	simm.s32 $0x400;
	s29 =	simm.s32 $0x480  }
.Lfunc_end2:
_tile_overlayer_lowered:
.L_overlay_start_2:
0x139: {  	(tag) =	ssettag $0x2  }
0x13a: {  	s0 =	rddreg [dreg:$0x0];
	s2 =	stileid.u32  }
0x13b: {  	s1 =	rddreg [dreg:$0x1];
	p0 =	sne.s32 s2, $0x0  }
0x13c: {  	s3 =	rddreg [dreg:$0x2];
	[bflag:$0x3] =	sbarrier.arrive $0xFFFF;
	s2 =	simm.s32 @!p0 $0x1C0F  }
0x13d: {  	[timem:s3], [sflag:s2] =	dma.local @!p0 [hbm:s0], s1  }
0x13e: {  	s0 =	simm.s32 @!p0 $0xF  }
0x13f: {  	_ =	swait.ge @!p0 [sflag:s0], s1  }
0x140: {  	s1 =	ssub.s32 @!p0 $0x0, s1;
	[sflag:s0] =	ssyncset.done @!p0 $0x0  }
0x141: {  	[sflag:s0] =	ssyncadd.s32 @!p0 s1  }
0x142: {  	[bflag:$0x3] =	sbarrier.arrive $0xFFFF  }
0x143: {  	_ =	shalt  }

</sc_bundles>
